<compile_context>
chip_gen: v7x
topology: tpu7x:2x2x1
jax: 0.10.2.dev20260603
libtpu: 0.0.44.dev20260713+nightly
codegen_flags: <defaults>
</compile_context>

<pallas_src>
import functools

import jax
import jax.numpy as jnp
from jax import lax
from jax.experimental import pallas as pl
from jax.experimental.pallas import tpu as pltpu
from jax.experimental.pallas import tpu_sc as plsc

N = 10000
E = 320000
D = 128
NC = 2
NS = 16
NW = NC * NS
EW = E // NW
CHC = 128
NFULL = EW // CHC
TAIL = EW - NFULL * CHC
NP = 10240
RPS = NP // NS
BR = 2048


def _mesh():
    return plsc.VectorSubcoreMesh(core_axis_name="c", subcore_axis_name="s")


def _sc_degree(edge):

    @functools.partial(
        pl.kernel,
        mesh=_mesh(),
        out_type=jax.ShapeDtypeStruct((NC * NP,), jnp.float32),
        scratch_types=[
            pltpu.VMEM((EW,), jnp.int32),
            pltpu.VMEM((CHC,), jnp.float32),
            pltpu.VMEM((RPS,), jnp.float32),
            pltpu.VMEM_SHARED((NP,), jnp.float32),
        ],
    )
    def k(edge_hbm, out_hbm, idx_v, ones_v, tb_v, hist_sh):
        c = lax.axis_index("c")
        s = lax.axis_index("s")
        wid = s * NC + c

        def fill_ones(i, carry):
            ones_v[pl.ds(i * 16, 16)] = jnp.ones((16,), jnp.float32)
            return carry

        lax.fori_loop(0, CHC // 16, fill_ones, 0)

        def zero_tb(i, carry):
            tb_v[pl.ds(i * 16, 16)] = jnp.zeros((16,), jnp.float32)
            return carry

        lax.fori_loop(0, RPS // 16, zero_tb, 0)
        pltpu.sync_copy(tb_v, hist_sh.at[pl.ds(s * RPS, RPS)])
        pltpu.sync_copy(edge_hbm.at[pl.ds(wid * EW, EW)], idx_v)
        plsc.subcore_barrier()

        def body(w, carry):
            pltpu.sync_copy(ones_v, hist_sh.at[idx_v.at[pl.ds(w * CHC, CHC)]], add=True)
            return carry

        lax.fori_loop(0, NFULL, body, 0)
        if TAIL:
            pltpu.sync_copy(
                ones_v.at[pl.ds(0, TAIL)],
                hist_sh.at[idx_v.at[pl.ds(NFULL * CHC, TAIL)]], add=True)
        plsc.subcore_barrier()

        pltpu.sync_copy(hist_sh.at[pl.ds(s * RPS, RPS)], tb_v)
        pltpu.sync_copy(tb_v, out_hbm.at[pl.ds(c * NP + s * RPS, RPS)])

    return k(edge)


def _sc_scatter(G, edge):

    @functools.partial(
        pl.kernel,
        mesh=_mesh(),
        out_type=jax.ShapeDtypeStruct((NC * NP, D), jnp.float32),
        scratch_types=[
            pltpu.VMEM((EW,), jnp.int32),
            pltpu.VMEM((CHC,), jnp.int32),
            pltpu.VMEM((CHC,), jnp.int32),
            pltpu.VMEM((2, CHC, D), jnp.float32),
            pltpu.VMEM_SHARED((NP, D), jnp.float32),
            pltpu.SemaphoreType.DMA,
            pltpu.SemaphoreType.DMA,
            pltpu.SemaphoreType.DMA,
        ],
    )
    def k(g_hbm, edge_hbm, out_hbm, cidx, rref0, rref1, rbuf, acc,
          gsem, rsem, ssem):
        c = lax.axis_index("c")
        s = lax.axis_index("s")
        wid = s * NC + c
        base = wid * EW
        rrefs = (rref0, rref1)

        def gather_desc(w, b):
            return pltpu.make_async_copy(
                g_hbm.at[cidx.at[pl.ds(w * CHC, CHC)]], rbuf.at[b], gsem)

        def ridx_desc(w, u):
            return pltpu.make_async_copy(
                edge_hbm.at[pl.ds(base + w * CHC, CHC)], rrefs[u], rsem)

        def zrow(r, carry):
            def zlane(j, carry2):
                rbuf[0, r, pl.ds(j * 16, 16)] = jnp.zeros((16,), jnp.float32)
                return carry2

            lax.fori_loop(0, D // 16, zlane, 0)
            return carry

        lax.fori_loop(0, CHC, zrow, 0)

        for t in range(RPS // CHC):
            pltpu.async_copy(
                rbuf.at[0], acc.at[pl.ds(s * RPS + t * CHC, CHC)], ssem)

        pltpu.sync_copy(edge_hbm.at[pl.ds(E + base, EW)], cidx)
        for t in range(RPS // CHC):
            pltpu.make_async_copy(
                rbuf.at[0], acc.at[pl.ds(s * RPS + t * CHC, CHC)], ssem).wait()
        plsc.subcore_barrier()

        ridx_desc(0, 0).start()
        pltpu.async_copy(
            g_hbm.at[cidx.at[pl.ds(0, CHC)]], rbuf.at[0], gsem)

        def scatter_desc(u):
            return pltpu.make_async_copy(rbuf.at[u], acc.at[rrefs[u]], ssem)

        def body(g, carry):
            for u in (0, 1):
                w = g * 2 + u
                gather_desc(w, u).wait()
                ridx_desc(w, u).wait()
                pltpu.async_copy(rbuf.at[u], acc.at[rrefs[u]], ssem, add=True)

                @pl.when(w + 1 < NFULL)
                def _():
                    @pl.when(w >= 1)
                    def _():
                        scatter_desc(1 - u).wait()

                    pltpu.async_copy(
                        g_hbm.at[cidx.at[pl.ds((w + 1) * CHC, CHC)]],
                        rbuf.at[1 - u], gsem)
                    ridx_desc(w + 1, 1 - u).start()

            return carry

        lax.fori_loop(0, NFULL // 2, body, 0)
        scatter_desc(0).wait()
        scatter_desc(1).wait()
        if TAIL:
            t0 = NFULL * CHC
            pltpu.async_copy(
                g_hbm.at[cidx.at[pl.ds(t0, TAIL)]],
                rbuf.at[0, pl.ds(0, TAIL)], gsem).wait()
            pltpu.sync_copy(
                edge_hbm.at[pl.ds(base + t0, TAIL)], rref0.at[pl.ds(0, TAIL)])
            pltpu.sync_copy(
                rbuf.at[0, pl.ds(0, TAIL)],
                acc.at[rref0.at[pl.ds(0, TAIL)]], add=True)
        plsc.subcore_barrier()

        nchunk = RPS // CHC

        def out_desc(t):
            return pltpu.make_async_copy(
                rbuf.at[t % 2],
                out_hbm.at[pl.ds(c * NP + s * RPS + t * CHC, CHC)], ssem)

        pltpu.sync_copy(acc.at[pl.ds(s * RPS, CHC)], rbuf.at[0])
        for t in range(nchunk):
            out_desc(t).start()
            if t + 1 < nchunk:
                if t >= 1:
                    out_desc(t - 1).wait()
                pltpu.sync_copy(
                    acc.at[pl.ds(s * RPS + (t + 1) * CHC, CHC)],
                    rbuf.at[(t + 1) % 2])
        out_desc(nchunk - 2).wait()
        out_desc(nchunk - 1).wait()

    return k(G, edge)


def _tc_matmul(H, Wm, b2):

    def body(h_ref, w_ref, b_ref, o_ref):
        o_ref[...] = lax.dot_general(
            h_ref[...], w_ref[...], (((1,), (1,)), ((), ())),
            preferred_element_type=jnp.float32,
        ) + b_ref[...]

    return pl.pallas_call(
        body,
        grid=(pl.cdiv(N, BR),),
        in_specs=[
            pl.BlockSpec((BR, D), lambda k: (k, 0)),
            pl.BlockSpec((D, D), lambda k: (0, 0)),
            pl.BlockSpec((1, D), lambda k: (0, 0)),
        ],
        out_specs=pl.BlockSpec((BR, D), lambda k: (k, 0)),
        out_shape=jax.ShapeDtypeStruct((N, D), jnp.float32),
    )(H, Wm, b2)


def _tc_scale(Hl, hist):

    def body(hl_ref, ht_ref, g_ref):
        r0 = pl.multiple_of(pl.program_id(0) * BR, 128)
        deg = ht_ref[pl.ds(r0, BR)] + ht_ref[pl.ds(NP + r0, BR)] + 1.0
        g_ref[...] = hl_ref[...] * lax.rsqrt(deg)[:, None]

    return pl.pallas_call(
        body,
        grid=(pl.cdiv(N, BR),),
        in_specs=[
            pl.BlockSpec((BR, D), lambda k: (k, 0)),
            pl.BlockSpec((NC * NP,), lambda k: (0,)),
        ],
        out_specs=pl.BlockSpec((BR, D), lambda k: (k, 0)),
        out_shape=jax.ShapeDtypeStruct((N, D), jnp.float32),
    )(Hl, hist)


def _tc_finish(P, G, hist):

    def body(p0_ref, p1_ref, g_ref, ht_ref, o_ref):
        accsum = p0_ref[...] + p1_ref[...] + g_ref[...]
        r0 = pl.multiple_of(pl.program_id(0) * BR, 128)
        deg = ht_ref[pl.ds(r0, BR)] + ht_ref[pl.ds(NP + r0, BR)] + 1.0
        o_ref[...] = jnp.maximum(accsum * lax.rsqrt(deg)[:, None], 0.0)

    nb = NP // BR
    return pl.pallas_call(
        body,
        grid=(pl.cdiv(N, BR),),
        in_specs=[
            pl.BlockSpec((BR, D), lambda k: (k, 0)),
            pl.BlockSpec((BR, D), lambda k: (k + nb, 0)),
            pl.BlockSpec((BR, D), lambda k: (k, 0)),
            pl.BlockSpec((NC * NP,), lambda k: (0,)),
        ],
        out_specs=pl.BlockSpec((BR, D), lambda k: (k, 0)),
        out_shape=jax.ShapeDtypeStruct((N, D), jnp.float32),
    )(P, P, G, hist)


def kernel(H, edge_index, W, b):
    ei = edge_index
    if ei.dtype != jnp.int32:
        ei = ei.astype(jnp.int32)
    ei = ei.reshape(2 * E)
    Hl = _tc_matmul(H, W, b.reshape(1, D))
    hist = _sc_degree(ei)
    G = _tc_scale(Hl, hist)
    P = _sc_scatter(G, ei)
    return _tc_finish(P, G, hist)

# --- scband reference (transcript-rebuilt; emitter-appended) ---
"""Pipeline reference for scband-gcnlayer-30116310679884 (READ-ONLY COPY).

The authoritative reference and input builder live on the scoring server;
editing this copy changes nothing except your own understanding.
"""

import jax, jax.numpy as jnp
import numpy as np


def setup_inputs(seed: int = 0) -> dict:
    key = jax.random.key(seed)
    k1, k2, k3 = jax.random.split(key, 3)
    N, E, d_in, d_out = 10000, 320000, 128, 128
    H = jax.random.normal(k1, (N, d_in), dtype=jnp.float32)
    edge_index = jax.random.randint(k2, (2, E), 0, N)
    # Linear layer parameters (torch.nn.Linear: W [out, in], b [out])
    W = jax.random.normal(k3, (d_out, d_in), dtype=jnp.float32) * (1.0 / np.sqrt(d_in))
    b = jnp.zeros((d_out,), dtype=jnp.float32)
    return {"H": H, "edge_index": edge_index, "W": W, "b": b}


def reference(H, edge_index, W, b):
    N = H.shape[0]
    # add self loops
    loop = jnp.arange(N, dtype=edge_index.dtype)
    ei = jnp.concatenate([edge_index, jnp.stack([loop, loop], axis=0)], axis=1)
    row, col = ei[0], ei[1]
    # degree of row (out-degree counting self loops), computed over row indices
    deg = jax.ops.segment_sum(jnp.ones(row.shape[0], dtype=H.dtype), row, num_segments=N)
    deg_inv_sqrt = jnp.where(deg > 0, deg ** -0.5, 0.0)
    norm = deg_inv_sqrt[row] * deg_inv_sqrt[col]
    # linear transform
    Hl = H @ W.T + b
    # gather messages from col, scale by norm
    msgs = Hl[col] * norm[:, None]
    # scatter-add into row
    out = jax.ops.segment_sum(msgs, row, num_segments=N)
    # activation = relu
    return jax.nn.relu(out)

if __name__ == "__main__":
    import jax
    _d = setup_inputs()
    print(jax.jit(kernel)(*tuple(_d.values())))

</pallas_src>

<mosaic_0001>
#map = affine_map<(d0, d1) -> (0)>
module attributes {stable_mosaic.version = 14 : i64} {
  func.func @k(%arg0: i32, %arg1: i32, %arg2: memref<640000xi32, #tpu.memory_space<hbm>>, %arg3: memref<20480xf32, #tpu.memory_space<hbm>>, %arg4: memref<10000xi32, #tpu.memory_space<vmem>>, %arg5: memref<128xf32, #tpu.memory_space<vmem>>, %arg6: memref<640xf32, #tpu.memory_space<vmem>>, %arg7: memref<10240xf32, #tpu.memory_space<vmem_shared>>) attributes {dimension_semantics = [#tpu.dimension_semantics<core_parallel>, #tpu.dimension_semantics<subcore_parallel>], iteration_bounds = array<i64: 2, 16>, scalar_prefetch = 0 : i64, scratch_operands = 4 : i64, tpu.core_type = #tpu.core_type<sc_vector_subcore>, window_params = [{transform_indices = #map}, {transform_indices = #map}]} {
    %mul3A = arith.constant 2 : i32
    %mul3A_0 = arith.muli %arg1, %mul3A : i32
    %add3A = arith.addi %mul3A_0, %arg0 : i32
    %scan3A = arith.constant 0 : i32
    %scan3A_1 = arith.constant 0 : i32
    %scan3A_2 = arith.constant 8 : i32
    %scan3A_3 = arith.addi %scan3A_1, %scan3A_2 : i32
    %scan3A_4 = arith.constant 1 : i32
    scf.for %scan3A_30 = %scan3A_1 to %scan3A_3 step %scan3A_4  : i32 {
      %broadcast_in_dim3A = arith.constant 1.000000e+00 : f32
      %broadcast_in_dim3A_31 = vector.broadcast %broadcast_in_dim3A : f32 to vector<16xf32>
      %mul3A_32 = arith.constant 16 : i32
      %mul3A_33 = arith.muli %scan3A_30, %mul3A_32 : i32
      %swap3A = arith.index_cast %mul3A_33 : i32 to index
      %swap3A_34 = tpu.vector_load %arg5[%swap3A] {strides = array<i32>} : memref<128xf32, #tpu.memory_space<vmem>>, vector<16xf32>,
      %swap3A_35 = vector.shape_cast %swap3A_34 : vector<16xf32> to vector<16xf32>
      %swap3A_36 = vector.shape_cast %broadcast_in_dim3A_31 : vector<16xf32> to vector<16xf32>
      tpu.vector_store %arg5[%swap3A], %swap3A_36 {strides = array<i32>} : memref<128xf32, #tpu.memory_space<vmem>>, vector<16xf32>,
    }
    %scan3A_5 = arith.constant 8 : i32
    %scan3A_6 = arith.constant 0 : i32
    %scan3A_7 = arith.constant 0 : i32
    %scan3A_8 = arith.constant 40 : i32
    %scan3A_9 = arith.addi %scan3A_7, %scan3A_8 : i32
    %scan3A_10 = arith.constant 1 : i32
    scf.for %scan3A_30 = %scan3A_7 to %scan3A_9 step %scan3A_10  : i32 {
      %broadcast_in_dim3A = arith.constant 0.000000e+00 : f32
      %broadcast_in_dim3A_31 = vector.broadcast %broadcast_in_dim3A : f32 to vector<16xf32>
      %mul3A_32 = arith.constant 16 : i32
      %mul3A_33 = arith.muli %scan3A_30, %mul3A_32 : i32
      %swap3A = arith.index_cast %mul3A_33 : i32 to index
      %swap3A_34 = tpu.vector_load %arg6[%swap3A] {strides = array<i32>} : memref<640xf32, #tpu.memory_space<vmem>>, vector<16xf32>,
      %swap3A_35 = vector.shape_cast %swap3A_34 : vector<16xf32> to vector<16xf32>
      %swap3A_36 = vector.shape_cast %broadcast_in_dim3A_31 : vector<16xf32> to vector<16xf32>
      tpu.vector_store %arg6[%swap3A], %swap3A_36 {strides = array<i32>} : memref<640xf32, #tpu.memory_space<vmem>>, vector<16xf32>,
    }
    %scan3A_11 = arith.constant 40 : i32
    %mul3A_12 = arith.constant 640 : i32
    %mul3A_13 = arith.muli %arg1, %mul3A_12 : i32
    "tpu.region"() ({
      %run_scoped3A = tpu.sem_alloc : memref<!tpu.dma_semaphore, #tpu.memory_space<semaphore_mem>>
      %dma_start3A = tpu.memref_slice %arg7[%mul3A_13] : memref<10240xf32, #tpu.memory_space<vmem_shared>> -> memref<640xf32, #tpu.memory_space<vmem_shared>>
      %dma_start3A_30 = tpu.memref_slice %arg7[%mul3A_13] : memref<10240xf32, #tpu.memory_space<vmem_shared>> -> memref<640xf32, #tpu.memory_space<vmem_shared>>
      tpu.enqueue_dma source(%arg6 : memref<640xf32, #tpu.memory_space<vmem>>) target(%dma_start3A_30 : memref<640xf32, #tpu.memory_space<vmem_shared>>) target_semaphore(%run_scoped3A : memref<!tpu.dma_semaphore, #tpu.memory_space<semaphore_mem>>)
      %dma_wait3A = tpu.memref_slice %arg7[%mul3A_13] : memref<10240xf32, #tpu.memory_space<vmem_shared>> -> memref<640xf32, #tpu.memory_space<vmem_shared>>
      %dma_wait3A_31 = tpu.memref_slice %arg7[%mul3A_13] : memref<10240xf32, #tpu.memory_space<vmem_shared>> -> memref<640xf32, #tpu.memory_space<vmem_shared>>
      tpu.wait_dma2 semaphore(%run_scoped3A : memref<!tpu.dma_semaphore, #tpu.memory_space<semaphore_mem>>) src(%arg6 : memref<640xf32, #tpu.memory_space<vmem>>) dst(%dma_wait3A_31 : memref<640xf32, #tpu.memory_space<vmem_shared>>)
      tpu.yield
    }) : () -> ()
    %mul3A_14 = arith.constant 10000 : i32
    %mul3A_15 = arith.muli %add3A, %mul3A_14 : i32
    "tpu.region"() ({
      %run_scoped3A = tpu.sem_alloc : memref<!tpu.dma_semaphore, #tpu.memory_space<semaphore_mem>>
      %dma_start3A = tpu.memref_slice %arg2[%mul3A_15] : memref<640000xi32, #tpu.memory_space<hbm>> -> memref<10000xi32, #tpu.memory_space<hbm>>
      %dma_start3A_30 = tpu.memref_slice %arg2[%mul3A_15] : memref<640000xi32, #tpu.memory_space<hbm>> -> memref<10000xi32, #tpu.memory_space<hbm>>
      tpu.enqueue_dma source(%dma_start3A_30 : memref<10000xi32, #tpu.memory_space<hbm>>) target(%arg4 : memref<10000xi32, #tpu.memory_space<vmem>>) target_semaphore(%run_scoped3A : memref<!tpu.dma_semaphore, #tpu.memory_space<semaphore_mem>>)
      %dma_wait3A = tpu.memref_slice %arg2[%mul3A_15] : memref<640000xi32, #tpu.memory_space<hbm>> -> memref<10000xi32, #tpu.memory_space<hbm>>
      %dma_wait3A_31 = tpu.memref_slice %arg2[%mul3A_15] : memref<640000xi32, #tpu.memory_space<hbm>> -> memref<10000xi32, #tpu.memory_space<hbm>>
      tpu.wait_dma2 semaphore(%run_scoped3A : memref<!tpu.dma_semaphore, #tpu.memory_space<semaphore_mem>>) src(%dma_wait3A_31 : memref<10000xi32, #tpu.memory_space<hbm>>) dst(%arg4 : memref<10000xi32, #tpu.memory_space<vmem>>)
      tpu.yield
    }) : () -> ()
    %barrier3A = arith.constant 0 : index
    tpu.barrier barrier_id(%barrier3A)
    %scan3A_16 = arith.constant 0 : i32
    %scan3A_17 = arith.constant 0 : i32
    %scan3A_18 = arith.constant 78 : i32
    %scan3A_19 = arith.addi %scan3A_17, %scan3A_18 : i32
    %scan3A_20 = arith.constant 1 : i32
    scf.for %scan3A_30 = %scan3A_17 to %scan3A_19 step %scan3A_20  : i32 {
      %mul3A_31 = arith.constant 128 : i32
      %mul3A_32 = arith.muli %scan3A_30, %mul3A_31 : i32
      "tpu.region"() ({
        %run_scoped3A = tpu.sem_alloc : memref<!tpu.dma_semaphore, #tpu.memory_space<semaphore_mem>>
        %dma_start3A = tpu.memref_slice %arg4[%mul3A_32] : memref<10000xi32, #tpu.memory_space<vmem>> -> memref<128xi32, #tpu.memory_space<vmem>>
        %dma_start3A_33 = arith.constant 0 : i32
        %dma_start3A_34 = tpu.memref_slice %arg7[%dma_start3A_33] : memref<10240xf32, #tpu.memory_space<vmem_shared>> -> memref<10240xf32, #tpu.memory_space<vmem_shared>>
        tpu.enqueue_indirect_dma source(%arg5 : memref<128xf32, #tpu.memory_space<vmem>>) target(%dma_start3A_34 : memref<10240xf32, #tpu.memory_space<vmem_shared>>) offsets(%dma_start3A : memref<128xi32, #tpu.memory_space<vmem>>) semaphore(%run_scoped3A : memref<!tpu.dma_semaphore, #tpu.memory_space<semaphore_mem>>) {add = true}
        %dma_wait3A = tpu.memref_slice %arg4[%mul3A_32] : memref<10000xi32, #tpu.memory_space<vmem>> -> memref<128xi32, #tpu.memory_space<vmem>>
        %dma_wait3A_35 = arith.constant 0 : i32
        %dma_wait3A_36 = tpu.memref_slice %arg7[%dma_wait3A_35] : memref<10240xf32, #tpu.memory_space<vmem_shared>> -> memref<10240xf32, #tpu.memory_space<vmem_shared>>
        tpu.wait_indirect_dma semaphore(%run_scoped3A : memref<!tpu.dma_semaphore, #tpu.memory_space<semaphore_mem>>) src(%arg5 : memref<128xf32, #tpu.memory_space<vmem>>) dst(%dma_wait3A_36 : memref<10240xf32, #tpu.memory_space<vmem_shared>>)
        tpu.yield
      }) : () -> ()
    }
    %scan3A_21 = arith.constant 78 : i32
    "tpu.region"() ({
      %run_scoped3A = tpu.sem_alloc : memref<!tpu.dma_semaphore, #tpu.memory_space<semaphore_mem>>
      %dma_start3A = arith.constant 0 : i32
      %dma_start3A_30 = tpu.memref_slice %arg5[%dma_start3A] : memref<128xf32, #tpu.memory_space<vmem>> -> memref<16xf32, #tpu.memory_space<vmem>>
      %dma_start3A_31 = arith.constant 9984 : i32
      %dma_start3A_32 = tpu.memref_slice %arg4[%dma_start3A_31] : memref<10000xi32, #tpu.memory_space<vmem>> -> memref<16xi32, #tpu.memory_space<vmem>>
      %dma_start3A_33 = arith.constant 0 : i32
      %dma_start3A_34 = tpu.memref_slice %arg7[%dma_start3A_33] : memref<10240xf32, #tpu.memory_space<vmem_shared>> -> memref<10240xf32, #tpu.memory_space<vmem_shared>>
      tpu.enqueue_indirect_dma source(%dma_start3A_30 : memref<16xf32, #tpu.memory_space<vmem>>) target(%dma_start3A_34 : memref<10240xf32, #tpu.memory_space<vmem_shared>>) offsets(%dma_start3A_32 : memref<16xi32, #tpu.memory_space<vmem>>) semaphore(%run_scoped3A : memref<!tpu.dma_semaphore, #tpu.memory_space<semaphore_mem>>) {add = true}
      %dma_wait3A = arith.constant 0 : i32
      %dma_wait3A_35 = tpu.memref_slice %arg5[%dma_wait3A] : memref<128xf32, #tpu.memory_space<vmem>> -> memref<16xf32, #tpu.memory_space<vmem>>
      %dma_wait3A_36 = arith.constant 9984 : i32
      %dma_wait3A_37 = tpu.memref_slice %arg4[%dma_wait3A_36] : memref<10000xi32, #tpu.memory_space<vmem>> -> memref<16xi32, #tpu.memory_space<vmem>>
      %dma_wait3A_38 = arith.constant 0 : i32
      %dma_wait3A_39 = tpu.memref_slice %arg7[%dma_wait3A_38] : memref<10240xf32, #tpu.memory_space<vmem_shared>> -> memref<10240xf32, #tpu.memory_space<vmem_shared>>
      tpu.wait_indirect_dma semaphore(%run_scoped3A : memref<!tpu.dma_semaphore, #tpu.memory_space<semaphore_mem>>) src(%dma_wait3A_35 : memref<16xf32, #tpu.memory_space<vmem>>) dst(%dma_wait3A_39 : memref<10240xf32, #tpu.memory_space<vmem_shared>>)
      tpu.yield
    }) : () -> ()
    %barrier3A_22 = arith.constant 0 : index
    tpu.barrier barrier_id(%barrier3A_22)
    %mul3A_23 = arith.constant 640 : i32
    %mul3A_24 = arith.muli %arg1, %mul3A_23 : i32
    "tpu.region"() ({
      %run_scoped3A = tpu.sem_alloc : memref<!tpu.dma_semaphore, #tpu.memory_space<semaphore_mem>>
      %dma_start3A = tpu.memref_slice %arg7[%mul3A_24] : memref<10240xf32, #tpu.memory_space<vmem_shared>> -> memref<640xf32, #tpu.memory_space<vmem_shared>>
      %dma_start3A_30 = tpu.memref_slice %arg7[%mul3A_24] : memref<10240xf32, #tpu.memory_space<vmem_shared>> -> memref<640xf32, #tpu.memory_space<vmem_shared>>
      tpu.enqueue_dma source(%dma_start3A_30 : memref<640xf32, #tpu.memory_space<vmem_shared>>) target(%arg6 : memref<640xf32, #tpu.memory_space<vmem>>) target_semaphore(%run_scoped3A : memref<!tpu.dma_semaphore, #tpu.memory_space<semaphore_mem>>)
      %dma_wait3A = tpu.memref_slice %arg7[%mul3A_24] : memref<10240xf32, #tpu.memory_space<vmem_shared>> -> memref<640xf32, #tpu.memory_space<vmem_shared>>
      %dma_wait3A_31 = tpu.memref_slice %arg7[%mul3A_24] : memref<10240xf32, #tpu.memory_space<vmem_shared>> -> memref<640xf32, #tpu.memory_space<vmem_shared>>
      tpu.wait_dma2 semaphore(%run_scoped3A : memref<!tpu.dma_semaphore, #tpu.memory_space<semaphore_mem>>) src(%dma_wait3A_31 : memref<640xf32, #tpu.memory_space<vmem_shared>>) dst(%arg6 : memref<640xf32, #tpu.memory_space<vmem>>)
      tpu.yield
    }) : () -> ()
    %mul3A_25 = arith.constant 10240 : i32
    %mul3A_26 = arith.muli %arg0, %mul3A_25 : i32
    %mul3A_27 = arith.constant 640 : i32
    %mul3A_28 = arith.muli %arg1, %mul3A_27 : i32
    %add3A_29 = arith.addi %mul3A_26, %mul3A_28 : i32
    "tpu.region"() ({
      %run_scoped3A = tpu.sem_alloc : memref<!tpu.dma_semaphore, #tpu.memory_space<semaphore_mem>>
      %dma_start3A = tpu.memref_slice %arg3[%add3A_29] : memref<20480xf32, #tpu.memory_space<hbm>> -> memref<640xf32, #tpu.memory_space<hbm>>
      %dma_start3A_30 = tpu.memref_slice %arg3[%add3A_29] : memref<20480xf32, #tpu.memory_space<hbm>> -> memref<640xf32, #tpu.memory_space<hbm>>
      tpu.enqueue_dma source(%arg6 : memref<640xf32, #tpu.memory_space<vmem>>) target(%dma_start3A_30 : memref<640xf32, #tpu.memory_space<hbm>>) target_semaphore(%run_scoped3A : memref<!tpu.dma_semaphore, #tpu.memory_space<semaphore_mem>>)
      %dma_wait3A = tpu.memref_slice %arg3[%add3A_29] : memref<20480xf32, #tpu.memory_space<hbm>> -> memref<640xf32, #tpu.memory_space<hbm>>
      %dma_wait3A_31 = tpu.memref_slice %arg3[%add3A_29] : memref<20480xf32, #tpu.memory_space<hbm>> -> memref<640xf32, #tpu.memory_space<hbm>>
      tpu.wait_dma2 semaphore(%run_scoped3A : memref<!tpu.dma_semaphore, #tpu.memory_space<semaphore_mem>>) src(%arg6 : memref<640xf32, #tpu.memory_space<vmem>>) dst(%dma_wait3A_31 : memref<640xf32, #tpu.memory_space<hbm>>)
      tpu.yield
    }) : () -> ()
    return
  }
}

#map = affine_map<(d0, d1) -> (0, 0)>
#map1 = affine_map<(d0, d1) -> (0)>
module attributes {stable_mosaic.version = 14 : i64} {
  func.func @k(%arg0: i32, %arg1: i32, %arg2: memref<10000x128xf32, #tpu.memory_space<hbm>>, %arg3: memref<640000xi32, #tpu.memory_space<hbm>>, %arg4: memref<20480x128xf32, #tpu.memory_space<hbm>>, %arg5: memref<10000xi32, #tpu.memory_space<vmem>>, %arg6: memref<128xi32, #tpu.memory_space<vmem>>, %arg7: memref<128xi32, #tpu.memory_space<vmem>>, %arg8: memref<2x128x128xf32, #tpu.memory_space<vmem>>, %arg9: memref<10240x128xf32, #tpu.memory_space<vmem_shared>>, %arg10: memref<!tpu.dma_semaphore, #tpu.memory_space<semaphore_mem>>, %arg11: memref<!tpu.dma_semaphore, #tpu.memory_space<semaphore_mem>>, %arg12: memref<!tpu.dma_semaphore, #tpu.memory_space<semaphore_mem>>) attributes {dimension_semantics = [#tpu.dimension_semantics<core_parallel>, #tpu.dimension_semantics<subcore_parallel>], iteration_bounds = array<i64: 2, 16>, scalar_prefetch = 0 : i64, scratch_operands = 8 : i64, tpu.core_type = #tpu.core_type<sc_vector_subcore>, window_params = [{transform_indices = #map}, {transform_indices = #map1}, {transform_indices = #map}]} {
    %mul3A = arith.constant 2 : i32
    %mul3A_0 = arith.muli %arg1, %mul3A : i32
    %add3A = arith.addi %mul3A_0, %arg0 : i32
    %mul3A_1 = arith.constant 10000 : i32
    %mul3A_2 = arith.muli %add3A, %mul3A_1 : i32
    %scan3A = arith.constant 0 : i32
    %scan3A_3 = arith.constant 0 : i32
    %scan3A_4 = arith.constant 128 : i32
    %scan3A_5 = arith.addi %scan3A_3, %scan3A_4 : i32
    %scan3A_6 = arith.constant 1 : i32
    scf.for %scan3A_460 = %scan3A_3 to %scan3A_5 step %scan3A_6  : i32 {
      %scan3A_461 = arith.constant 0 : i32
      %scan3A_462 = arith.constant 0 : i32
      %scan3A_463 = arith.constant 8 : i32
      %scan3A_464 = arith.addi %scan3A_462, %scan3A_463 : i32
      %scan3A_465 = arith.constant 1 : i32
      scf.for %scan3A_467 = %scan3A_462 to %scan3A_464 step %scan3A_465  : i32 {
        %broadcast_in_dim3A = arith.constant 0.000000e+00 : f32
        %broadcast_in_dim3A_468 = vector.broadcast %broadcast_in_dim3A : f32 to vector<16xf32>
        %mul3A_469 = arith.constant 16 : i32
        %mul3A_470 = arith.muli %scan3A_467, %mul3A_469 : i32
        %swap3A = arith.constant 0 : i32
        %swap3A_471 = arith.index_cast %swap3A : i32 to index
        %swap3A_472 = arith.index_cast %scan3A_460 : i32 to index
        %swap3A_473 = arith.index_cast %mul3A_470 : i32 to index
        %swap3A_474 = tpu.vector_load %arg8[%swap3A_471, %swap3A_472, %swap3A_473] {strides = array<i32>} : memref<2x128x128xf32, #tpu.memory_space<vmem>>, vector<1x1x16xf32>,
        %swap3A_475 = vector.shape_cast %swap3A_474 : vector<1x1x16xf32> to vector<16xf32>
        %swap3A_476 = vector.shape_cast %broadcast_in_dim3A_468 : vector<16xf32> to vector<1x1x16xf32>
        tpu.vector_store %arg8[%swap3A_471, %swap3A_472, %swap3A_473], %swap3A_476 {strides = array<i32>} : memref<2x128x128xf32, #tpu.memory_space<vmem>>, vector<1x1x16xf32>,
      }
      %scan3A_466 = arith.constant 8 : i32
    }
    %scan3A_7 = arith.constant 128 : i32
    %mul3A_8 = arith.constant 640 : i32
    %mul3A_9 = arith.muli %arg1, %mul3A_8 : i32
    %add3A_10 = arith.constant 0 : i32
    %add3A_11 = arith.addi %mul3A_9, %add3A_10 : i32
    %dma_start3A = arith.constant 0 : i32
    %dma_start3A_12 = arith.constant 0 : i32
    %dma_start3A_13 = arith.constant 0 : i32
    %dma_start3A_14 = tpu.memref_slice %arg8[%dma_start3A, %dma_start3A_12, %dma_start3A_13] : memref<2x128x128xf32, #tpu.memory_space<vmem>> -> memref<1x128x128xf32, #tpu.memory_space<vmem>>
    %dma_start3A_15 = tpu.memref_squeeze %dma_start3A_14 : memref<1x128x128xf32, #tpu.memory_space<vmem>> -> memref<128x128xf32, #tpu.memory_space<vmem>>
    %dma_start3A_16 = arith.constant 0 : i32
    %dma_start3A_17 = tpu.memref_slice %arg9[%add3A_11, %dma_start3A_16] : memref<10240x128xf32, #tpu.memory_space<vmem_shared>> -> memref<128x128xf32, #tpu.memory_space<vmem_shared>>
    %dma_start3A_18 = arith.constant 0 : i32
    %dma_start3A_19 = tpu.memref_slice %arg9[%add3A_11, %dma_start3A_18] : memref<10240x128xf32, #tpu.memory_space<vmem_shared>> -> memref<128x128xf32, #tpu.memory_space<vmem_shared>>
    %dma_start3A_20 = arith.constant 0 : i32
    %dma_start3A_21 = arith.constant 0 : i32
    %dma_start3A_22 = tpu.memref_slice %arg8[%dma_start3A, %dma_start3A_20, %dma_start3A_21] : memref<2x128x128xf32, #tpu.memory_space<vmem>> -> memref<1x128x128xf32, #tpu.memory_space<vmem>>
    %dma_start3A_23 = tpu.memref_squeeze %dma_start3A_22 : memref<1x128x128xf32, #tpu.memory_space<vmem>> -> memref<128x128xf32, #tpu.memory_space<vmem>>
    tpu.enqueue_dma source(%dma_start3A_23 : memref<128x128xf32, #tpu.memory_space<vmem>>) target(%dma_start3A_19 : memref<128x128xf32, #tpu.memory_space<vmem_shared>>) target_semaphore(%arg12 : memref<!tpu.dma_semaphore, #tpu.memory_space<semaphore_mem>>)
    %mul3A_24 = arith.constant 640 : i32
    %mul3A_25 = arith.muli %arg1, %mul3A_24 : i32
    %add3A_26 = arith.constant 128 : i32
    %add3A_27 = arith.addi %mul3A_25, %add3A_26 : i32
    %dma_start3A_28 = arith.constant 0 : i32
    %dma_start3A_29 = arith.constant 0 : i32
    %dma_start3A_30 = arith.constant 0 : i32
    %dma_start3A_31 = tpu.memref_slice %arg8[%dma_start3A_28, %dma_start3A_29, %dma_start3A_30] : memref<2x128x128xf32, #tpu.memory_space<vmem>> -> memref<1x128x128xf32, #tpu.memory_space<vmem>>
    %dma_start3A_32 = tpu.memref_squeeze %dma_start3A_31 : memref<1x128x128xf32, #tpu.memory_space<vmem>> -> memref<128x128xf32, #tpu.memory_space<vmem>>
    %dma_start3A_33 = arith.constant 0 : i32
    %dma_start3A_34 = tpu.memref_slice %arg9[%add3A_27, %dma_start3A_33] : memref<10240x128xf32, #tpu.memory_space<vmem_shared>> -> memref<128x128xf32, #tpu.memory_space<vmem_shared>>
    %dma_start3A_35 = arith.constant 0 : i32
    %dma_start3A_36 = tpu.memref_slice %arg9[%add3A_27, %dma_start3A_35] : memref<10240x128xf32, #tpu.memory_space<vmem_shared>> -> memref<128x128xf32, #tpu.memory_space<vmem_shared>>
    %dma_start3A_37 = arith.constant 0 : i32
    %dma_start3A_38 = arith.constant 0 : i32
    %dma_start3A_39 = tpu.memref_slice %arg8[%dma_start3A_28, %dma_start3A_37, %dma_start3A_38] : memref<2x128x128xf32, #tpu.memory_space<vmem>> -> memref<1x128x128xf32, #tpu.memory_space<vmem>>
    %dma_start3A_40 = tpu.memref_squeeze %dma_start3A_39 : memref<1x128x128xf32, #tpu.memory_space<vmem>> -> memref<128x128xf32, #tpu.memory_space<vmem>>
    tpu.enqueue_dma source(%dma_start3A_40 : memref<128x128xf32, #tpu.memory_space<vmem>>) target(%dma_start3A_36 : memref<128x128xf32, #tpu.memory_space<vmem_shared>>) target_semaphore(%arg12 : memref<!tpu.dma_semaphore, #tpu.memory_space<semaphore_mem>>)
    %mul3A_41 = arith.constant 640 : i32
    %mul3A_42 = arith.muli %arg1, %mul3A_41 : i32
    %add3A_43 = arith.constant 256 : i32
    %add3A_44 = arith.addi %mul3A_42, %add3A_43 : i32
    %dma_start3A_45 = arith.constant 0 : i32
    %dma_start3A_46 = arith.constant 0 : i32
    %dma_start3A_47 = arith.constant 0 : i32
    %dma_start3A_48 = tpu.memref_slice %arg8[%dma_start3A_45, %dma_start3A_46, %dma_start3A_47] : memref<2x128x128xf32, #tpu.memory_space<vmem>> -> memref<1x128x128xf32, #tpu.memory_space<vmem>>
    %dma_start3A_49 = tpu.memref_squeeze %dma_start3A_48 : memref<1x128x128xf32, #tpu.memory_space<vmem>> -> memref<128x128xf32, #tpu.memory_space<vmem>>
    %dma_start3A_50 = arith.constant 0 : i32
    %dma_start3A_51 = tpu.memref_slice %arg9[%add3A_44, %dma_start3A_50] : memref<10240x128xf32, #tpu.memory_space<vmem_shared>> -> memref<128x128xf32, #tpu.memory_space<vmem_shared>>
    %dma_start3A_52 = arith.constant 0 : i32
    %dma_start3A_53 = tpu.memref_slice %arg9[%add3A_44, %dma_start3A_52] : memref<10240x128xf32, #tpu.memory_space<vmem_shared>> -> memref<128x128xf32, #tpu.memory_space<vmem_shared>>
    %dma_start3A_54 = arith.constant 0 : i32
    %dma_start3A_55 = arith.constant 0 : i32
    %dma_start3A_56 = tpu.memref_slice %arg8[%dma_start3A_45, %dma_start3A_54, %dma_start3A_55] : memref<2x128x128xf32, #tpu.memory_space<vmem>> -> memref<1x128x128xf32, #tpu.memory_space<vmem>>
    %dma_start3A_57 = tpu.memref_squeeze %dma_start3A_56 : memref<1x128x128xf32, #tpu.memory_space<vmem>> -> memref<128x128xf32, #tpu.memory_space<vmem>>
    tpu.enqueue_dma source(%dma_start3A_57 : memref<128x128xf32, #tpu.memory_space<vmem>>) target(%dma_start3A_53 : memref<128x128xf32, #tpu.memory_space<vmem_shared>>) target_semaphore(%arg12 : memref<!tpu.dma_semaphore, #tpu.memory_space<semaphore_mem>>)
    %mul3A_58 = arith.constant 640 : i32
    %mul3A_59 = arith.muli %arg1, %mul3A_58 : i32
    %add3A_60 = arith.constant 384 : i32
    %add3A_61 = arith.addi %mul3A_59, %add3A_60 : i32
    %dma_start3A_62 = arith.constant 0 : i32
    %dma_start3A_63 = arith.constant 0 : i32
    %dma_start3A_64 = arith.constant 0 : i32
    %dma_start3A_65 = tpu.memref_slice %arg8[%dma_start3A_62, %dma_start3A_63, %dma_start3A_64] : memref<2x128x128xf32, #tpu.memory_space<vmem>> -> memref<1x128x128xf32, #tpu.memory_space<vmem>>
    %dma_start3A_66 = tpu.memref_squeeze %dma_start3A_65 : memref<1x128x128xf32, #tpu.memory_space<vmem>> -> memref<128x128xf32, #tpu.memory_space<vmem>>
    %dma_start3A_67 = arith.constant 0 : i32
    %dma_start3A_68 = tpu.memref_slice %arg9[%add3A_61, %dma_start3A_67] : memref<10240x128xf32, #tpu.memory_space<vmem_shared>> -> memref<128x128xf32, #tpu.memory_space<vmem_shared>>
    %dma_start3A_69 = arith.constant 0 : i32
    %dma_start3A_70 = tpu.memref_slice %arg9[%add3A_61, %dma_start3A_69] : memref<10240x128xf32, #tpu.memory_space<vmem_shared>> -> memref<128x128xf32, #tpu.memory_space<vmem_shared>>
    %dma_start3A_71 = arith.constant 0 : i32
    %dma_start3A_72 = arith.constant 0 : i32
    %dma_start3A_73 = tpu.memref_slice %arg8[%dma_start3A_62, %dma_start3A_71, %dma_start3A_72] : memref<2x128x128xf32, #tpu.memory_space<vmem>> -> memref<1x128x128xf32, #tpu.memory_space<vmem>>
    %dma_start3A_74 = tpu.memref_squeeze %dma_start3A_73 : memref<1x128x128xf32, #tpu.memory_space<vmem>> -> memref<128x128xf32, #tpu.memory_space<vmem>>
    tpu.enqueue_dma source(%dma_start3A_74 : memref<128x128xf32, #tpu.memory_space<vmem>>) target(%dma_start3A_70 : memref<128x128xf32, #tpu.memory_space<vmem_shared>>) target_semaphore(%arg12 : memref<!tpu.dma_semaphore, #tpu.memory_space<semaphore_mem>>)
    %mul3A_75 = arith.constant 640 : i32
    %mul3A_76 = arith.muli %arg1, %mul3A_75 : i32
    %add3A_77 = arith.constant 512 : i32
    %add3A_78 = arith.addi %mul3A_76, %add3A_77 : i32
    %dma_start3A_79 = arith.constant 0 : i32
    %dma_start3A_80 = arith.constant 0 : i32
    %dma_start3A_81 = arith.constant 0 : i32
    %dma_start3A_82 = tpu.memref_slice %arg8[%dma_start3A_79, %dma_start3A_80, %dma_start3A_81] : memref<2x128x128xf32, #tpu.memory_space<vmem>> -> memref<1x128x128xf32, #tpu.memory_space<vmem>>
    %dma_start3A_83 = tpu.memref_squeeze %dma_start3A_82 : memref<1x128x128xf32, #tpu.memory_space<vmem>> -> memref<128x128xf32, #tpu.memory_space<vmem>>
    %dma_start3A_84 = arith.constant 0 : i32
    %dma_start3A_85 = tpu.memref_slice %arg9[%add3A_78, %dma_start3A_84] : memref<10240x128xf32, #tpu.memory_space<vmem_shared>> -> memref<128x128xf32, #tpu.memory_space<vmem_shared>>
    %dma_start3A_86 = arith.constant 0 : i32
    %dma_start3A_87 = tpu.memref_slice %arg9[%add3A_78, %dma_start3A_86] : memref<10240x128xf32, #tpu.memory_space<vmem_shared>> -> memref<128x128xf32, #tpu.memory_space<vmem_shared>>
    %dma_start3A_88 = arith.constant 0 : i32
    %dma_start3A_89 = arith.constant 0 : i32
    %dma_start3A_90 = tpu.memref_slice %arg8[%dma_start3A_79, %dma_start3A_88, %dma_start3A_89] : memref<2x128x128xf32, #tpu.memory_space<vmem>> -> memref<1x128x128xf32, #tpu.memory_space<vmem>>
    %dma_start3A_91 = tpu.memref_squeeze %dma_start3A_90 : memref<1x128x128xf32, #tpu.memory_space<vmem>> -> memref<128x128xf32, #tpu.memory_space<vmem>>
    tpu.enqueue_dma source(%dma_start3A_91 : memref<128x128xf32, #tpu.memory_space<vmem>>) target(%dma_start3A_87 : memref<128x128xf32, #tpu.memory_space<vmem_shared>>) target_semaphore(%arg12 : memref<!tpu.dma_semaphore, #tpu.memory_space<semaphore_mem>>)
    %add3A_92 = arith.constant 320000 : i32
    %add3A_93 = arith.addi %add3A_92, %mul3A_2 : i32
    "tpu.region"() ({
      %run_scoped3A_460 = tpu.sem_alloc : memref<!tpu.dma_semaphore, #tpu.memory_space<semaphore_mem>>
      %dma_start3A_461 = tpu.memref_slice %arg3[%add3A_93] : memref<640000xi32, #tpu.memory_space<hbm>> -> memref<10000xi32, #tpu.memory_space<hbm>>
      %dma_start3A_462 = tpu.memref_slice %arg3[%add3A_93] : memref<640000xi32, #tpu.memory_space<hbm>> -> memref<10000xi32, #tpu.memory_space<hbm>>
      tpu.enqueue_dma source(%dma_start3A_462 : memref<10000xi32, #tpu.memory_space<hbm>>) target(%arg5 : memref<10000xi32, #tpu.memory_space<vmem>>) target_semaphore(%run_scoped3A_460 : memref<!tpu.dma_semaphore, #tpu.memory_space<semaphore_mem>>)
      %dma_wait3A_463 = tpu.memref_slice %arg3[%add3A_93] : memref<640000xi32, #tpu.memory_space<hbm>> -> memref<10000xi32, #tpu.memory_space<hbm>>
      %dma_wait3A_464 = tpu.memref_slice %arg3[%add3A_93] : memref<640000xi32, #tpu.memory_space<hbm>> -> memref<10000xi32, #tpu.memory_space<hbm>>
      tpu.wait_dma2 semaphore(%run_scoped3A_460 : memref<!tpu.dma_semaphore, #tpu.memory_space<semaphore_mem>>) src(%dma_wait3A_464 : memref<10000xi32, #tpu.memory_space<hbm>>) dst(%arg5 : memref<10000xi32, #tpu.memory_space<vmem>>)
      tpu.yield
    }) : () -> ()
    %mul3A_94 = arith.constant 640 : i32
    %mul3A_95 = arith.muli %arg1, %mul3A_94 : i32
    %add3A_96 = arith.constant 0 : i32
    %add3A_97 = arith.addi %mul3A_95, %add3A_96 : i32
    %dma_wait3A = arith.constant 0 : i32
    %dma_wait3A_98 = arith.constant 0 : i32
    %dma_wait3A_99 = arith.constant 0 : i32
    %dma_wait3A_100 = tpu.memref_slice %arg8[%dma_wait3A, %dma_wait3A_98, %dma_wait3A_99] : memref<2x128x128xf32, #tpu.memory_space<vmem>> -> memref<1x128x128xf32, #tpu.memory_space<vmem>>
    %dma_wait3A_101 = tpu.memref_squeeze %dma_wait3A_100 : memref<1x128x128xf32, #tpu.memory_space<vmem>> -> memref<128x128xf32, #tpu.memory_space<vmem>>
    %dma_wait3A_102 = arith.constant 0 : i32
    %dma_wait3A_103 = tpu.memref_slice %arg9[%add3A_97, %dma_wait3A_102] : memref<10240x128xf32, #tpu.memory_space<vmem_shared>> -> memref<128x128xf32, #tpu.memory_space<vmem_shared>>
    %dma_wait3A_104 = arith.constant 0 : i32
    %dma_wait3A_105 = tpu.memref_slice %arg9[%add3A_97, %dma_wait3A_104] : memref<10240x128xf32, #tpu.memory_space<vmem_shared>> -> memref<128x128xf32, #tpu.memory_space<vmem_shared>>
    %dma_wait3A_106 = arith.constant 0 : i32
    %dma_wait3A_107 = arith.constant 0 : i32
    %dma_wait3A_108 = tpu.memref_slice %arg8[%dma_wait3A, %dma_wait3A_106, %dma_wait3A_107] : memref<2x128x128xf32, #tpu.memory_space<vmem>> -> memref<1x128x128xf32, #tpu.memory_space<vmem>>
    %dma_wait3A_109 = tpu.memref_squeeze %dma_wait3A_108 : memref<1x128x128xf32, #tpu.memory_space<vmem>> -> memref<128x128xf32, #tpu.memory_space<vmem>>
    tpu.wait_dma2 semaphore(%arg12 : memref<!tpu.dma_semaphore, #tpu.memory_space<semaphore_mem>>) src(%dma_wait3A_109 : memref<128x128xf32, #tpu.memory_space<vmem>>) dst(%dma_wait3A_105 : memref<128x128xf32, #tpu.memory_space<vmem_shared>>)
    %mul3A_110 = arith.constant 640 : i32
    %mul3A_111 = arith.muli %arg1, %mul3A_110 : i32
    %add3A_112 = arith.constant 128 : i32
    %add3A_113 = arith.addi %mul3A_111, %add3A_112 : i32
    %dma_wait3A_114 = arith.constant 0 : i32
    %dma_wait3A_115 = arith.constant 0 : i32
    %dma_wait3A_116 = arith.constant 0 : i32
    %dma_wait3A_117 = tpu.memref_slice %arg8[%dma_wait3A_114, %dma_wait3A_115, %dma_wait3A_116] : memref<2x128x128xf32, #tpu.memory_space<vmem>> -> memref<1x128x128xf32, #tpu.memory_space<vmem>>
    %dma_wait3A_118 = tpu.memref_squeeze %dma_wait3A_117 : memref<1x128x128xf32, #tpu.memory_space<vmem>> -> memref<128x128xf32, #tpu.memory_space<vmem>>
    %dma_wait3A_119 = arith.constant 0 : i32
    %dma_wait3A_120 = tpu.memref_slice %arg9[%add3A_113, %dma_wait3A_119] : memref<10240x128xf32, #tpu.memory_space<vmem_shared>> -> memref<128x128xf32, #tpu.memory_space<vmem_shared>>
    %dma_wait3A_121 = arith.constant 0 : i32
    %dma_wait3A_122 = tpu.memref_slice %arg9[%add3A_113, %dma_wait3A_121] : memref<10240x128xf32, #tpu.memory_space<vmem_shared>> -> memref<128x128xf32, #tpu.memory_space<vmem_shared>>
    %dma_wait3A_123 = arith.constant 0 : i32
    %dma_wait3A_124 = arith.constant 0 : i32
    %dma_wait3A_125 = tpu.memref_slice %arg8[%dma_wait3A_114, %dma_wait3A_123, %dma_wait3A_124] : memref<2x128x128xf32, #tpu.memory_space<vmem>> -> memref<1x128x128xf32, #tpu.memory_space<vmem>>
    %dma_wait3A_126 = tpu.memref_squeeze %dma_wait3A_125 : memref<1x128x128xf32, #tpu.memory_space<vmem>> -> memref<128x128xf32, #tpu.memory_space<vmem>>
    tpu.wait_dma2 semaphore(%arg12 : memref<!tpu.dma_semaphore, #tpu.memory_space<semaphore_mem>>) src(%dma_wait3A_126 : memref<128x128xf32, #tpu.memory_space<vmem>>) dst(%dma_wait3A_122 : memref<128x128xf32, #tpu.memory_space<vmem_shared>>)
    %mul3A_127 = arith.constant 640 : i32
    %mul3A_128 = arith.muli %arg1, %mul3A_127 : i32
    %add3A_129 = arith.constant 256 : i32
    %add3A_130 = arith.addi %mul3A_128, %add3A_129 : i32
    %dma_wait3A_131 = arith.constant 0 : i32
    %dma_wait3A_132 = arith.constant 0 : i32
    %dma_wait3A_133 = arith.constant 0 : i32
    %dma_wait3A_134 = tpu.memref_slice %arg8[%dma_wait3A_131, %dma_wait3A_132, %dma_wait3A_133] : memref<2x128x128xf32, #tpu.memory_space<vmem>> -> memref<1x128x128xf32, #tpu.memory_space<vmem>>
    %dma_wait3A_135 = tpu.memref_squeeze %dma_wait3A_134 : memref<1x128x128xf32, #tpu.memory_space<vmem>> -> memref<128x128xf32, #tpu.memory_space<vmem>>
    %dma_wait3A_136 = arith.constant 0 : i32
    %dma_wait3A_137 = tpu.memref_slice %arg9[%add3A_130, %dma_wait3A_136] : memref<10240x128xf32, #tpu.memory_space<vmem_shared>> -> memref<128x128xf32, #tpu.memory_space<vmem_shared>>
    %dma_wait3A_138 = arith.constant 0 : i32
    %dma_wait3A_139 = tpu.memref_slice %arg9[%add3A_130, %dma_wait3A_138] : memref<10240x128xf32, #tpu.memory_space<vmem_shared>> -> memref<128x128xf32, #tpu.memory_space<vmem_shared>>
    %dma_wait3A_140 = arith.constant 0 : i32
    %dma_wait3A_141 = arith.constant 0 : i32
    %dma_wait3A_142 = tpu.memref_slice %arg8[%dma_wait3A_131, %dma_wait3A_140, %dma_wait3A_141] : memref<2x128x128xf32, #tpu.memory_space<vmem>> -> memref<1x128x128xf32, #tpu.memory_space<vmem>>
    %dma_wait3A_143 = tpu.memref_squeeze %dma_wait3A_142 : memref<1x128x128xf32, #tpu.memory_space<vmem>> -> memref<128x128xf32, #tpu.memory_space<vmem>>
    tpu.wait_dma2 semaphore(%arg12 : memref<!tpu.dma_semaphore, #tpu.memory_space<semaphore_mem>>) src(%dma_wait3A_143 : memref<128x128xf32, #tpu.memory_space<vmem>>) dst(%dma_wait3A_139 : memref<128x128xf32, #tpu.memory_space<vmem_shared>>)
    %mul3A_144 = arith.constant 640 : i32
    %mul3A_145 = arith.muli %arg1, %mul3A_144 : i32
    %add3A_146 = arith.constant 384 : i32
    %add3A_147 = arith.addi %mul3A_145, %add3A_146 : i32
    %dma_wait3A_148 = arith.constant 0 : i32
    %dma_wait3A_149 = arith.constant 0 : i32
    %dma_wait3A_150 = arith.constant 0 : i32
    %dma_wait3A_151 = tpu.memref_slice %arg8[%dma_wait3A_148, %dma_wait3A_149, %dma_wait3A_150] : memref<2x128x128xf32, #tpu.memory_space<vmem>> -> memref<1x128x128xf32, #tpu.memory_space<vmem>>
    %dma_wait3A_152 = tpu.memref_squeeze %dma_wait3A_151 : memref<1x128x128xf32, #tpu.memory_space<vmem>> -> memref<128x128xf32, #tpu.memory_space<vmem>>
    %dma_wait3A_153 = arith.constant 0 : i32
    %dma_wait3A_154 = tpu.memref_slice %arg9[%add3A_147, %dma_wait3A_153] : memref<10240x128xf32, #tpu.memory_space<vmem_shared>> -> memref<128x128xf32, #tpu.memory_space<vmem_shared>>
    %dma_wait3A_155 = arith.constant 0 : i32
    %dma_wait3A_156 = tpu.memref_slice %arg9[%add3A_147, %dma_wait3A_155] : memref<10240x128xf32, #tpu.memory_space<vmem_shared>> -> memref<128x128xf32, #tpu.memory_space<vmem_shared>>
    %dma_wait3A_157 = arith.constant 0 : i32
    %dma_wait3A_158 = arith.constant 0 : i32
    %dma_wait3A_159 = tpu.memref_slice %arg8[%dma_wait3A_148, %dma_wait3A_157, %dma_wait3A_158] : memref<2x128x128xf32, #tpu.memory_space<vmem>> -> memref<1x128x128xf32, #tpu.memory_space<vmem>>
    %dma_wait3A_160 = tpu.memref_squeeze %dma_wait3A_159 : memref<1x128x128xf32, #tpu.memory_space<vmem>> -> memref<128x128xf32, #tpu.memory_space<vmem>>
    tpu.wait_dma2 semaphore(%arg12 : memref<!tpu.dma_semaphore, #tpu.memory_space<semaphore_mem>>) src(%dma_wait3A_160 : memref<128x128xf32, #tpu.memory_space<vmem>>) dst(%dma_wait3A_156 : memref<128x128xf32, #tpu.memory_space<vmem_shared>>)
    %mul3A_161 = arith.constant 640 : i32
    %mul3A_162 = arith.muli %arg1, %mul3A_161 : i32
    %add3A_163 = arith.constant 512 : i32
    %add3A_164 = arith.addi %mul3A_162, %add3A_163 : i32
    %dma_wait3A_165 = arith.constant 0 : i32
    %dma_wait3A_166 = arith.constant 0 : i32
    %dma_wait3A_167 = arith.constant 0 : i32
    %dma_wait3A_168 = tpu.memref_slice %arg8[%dma_wait3A_165, %dma_wait3A_166, %dma_wait3A_167] : memref<2x128x128xf32, #tpu.memory_space<vmem>> -> memref<1x128x128xf32, #tpu.memory_space<vmem>>
    %dma_wait3A_169 = tpu.memref_squeeze %dma_wait3A_168 : memref<1x128x128xf32, #tpu.memory_space<vmem>> -> memref<128x128xf32, #tpu.memory_space<vmem>>
    %dma_wait3A_170 = arith.constant 0 : i32
    %dma_wait3A_171 = tpu.memref_slice %arg9[%add3A_164, %dma_wait3A_170] : memref<10240x128xf32, #tpu.memory_space<vmem_shared>> -> memref<128x128xf32, #tpu.memory_space<vmem_shared>>
    %dma_wait3A_172 = arith.constant 0 : i32
    %dma_wait3A_173 = tpu.memref_slice %arg9[%add3A_164, %dma_wait3A_172] : memref<10240x128xf32, #tpu.memory_space<vmem_shared>> -> memref<128x128xf32, #tpu.memory_space<vmem_shared>>
    %dma_wait3A_174 = arith.constant 0 : i32
    %dma_wait3A_175 = arith.constant 0 : i32
    %dma_wait3A_176 = tpu.memref_slice %arg8[%dma_wait3A_165, %dma_wait3A_174, %dma_wait3A_175] : memref<2x128x128xf32, #tpu.memory_space<vmem>> -> memref<1x128x128xf32, #tpu.memory_space<vmem>>
    %dma_wait3A_177 = tpu.memref_squeeze %dma_wait3A_176 : memref<1x128x128xf32, #tpu.memory_space<vmem>> -> memref<128x128xf32, #tpu.memory_space<vmem>>
    tpu.wait_dma2 semaphore(%arg12 : memref<!tpu.dma_semaphore, #tpu.memory_space<semaphore_mem>>) src(%dma_wait3A_177 : memref<128x128xf32, #tpu.memory_space<vmem>>) dst(%dma_wait3A_173 : memref<128x128xf32, #tpu.memory_space<vmem_shared>>)
    %barrier3A = arith.constant 0 : index
    tpu.barrier barrier_id(%barrier3A)
    %add3A_178 = arith.constant 0 : i32
    %add3A_179 = arith.addi %mul3A_2, %add3A_178 : i32
    %dma_start3A_180 = tpu.memref_slice %arg3[%add3A_179] : memref<640000xi32, #tpu.memory_space<hbm>> -> memref<128xi32, #tpu.memory_space<hbm>>
    %dma_start3A_181 = tpu.memref_slice %arg3[%add3A_179] : memref<640000xi32, #tpu.memory_space<hbm>> -> memref<128xi32, #tpu.memory_space<hbm>>
    tpu.enqueue_dma source(%dma_start3A_181 : memref<128xi32, #tpu.memory_space<hbm>>) target(%arg6 : memref<128xi32, #tpu.memory_space<vmem>>) target_semaphore(%arg11 : memref<!tpu.dma_semaphore, #tpu.memory_space<semaphore_mem>>)
    %dma_start3A_182 = arith.constant 0 : i32
    %dma_start3A_183 = arith.constant 0 : i32
    %dma_start3A_184 = arith.constant 0 : i32
    %dma_start3A_185 = tpu.memref_slice %arg8[%dma_start3A_182, %dma_start3A_183, %dma_start3A_184] : memref<2x128x128xf32, #tpu.memory_space<vmem>> -> memref<1x128x128xf32, #tpu.memory_space<vmem>>
    %dma_start3A_186 = tpu.memref_squeeze %dma_start3A_185 : memref<1x128x128xf32, #tpu.memory_space<vmem>> -> memref<128x128xf32, #tpu.memory_space<vmem>>
    %dma_start3A_187 = arith.constant 0 : i32
    %dma_start3A_188 = tpu.memref_slice %arg5[%dma_start3A_187] : memref<10000xi32, #tpu.memory_space<vmem>> -> memref<128xi32, #tpu.memory_space<vmem>>
    %dma_start3A_189 = arith.constant 0 : i32
    %dma_start3A_190 = arith.constant 0 : i32
    %dma_start3A_191 = tpu.memref_slice %arg2[%dma_start3A_189, %dma_start3A_190] : memref<10000x128xf32, #tpu.memory_space<hbm>> -> memref<10000x128xf32, #tpu.memory_space<hbm>>
    tpu.enqueue_indirect_dma source(%dma_start3A_191 : memref<10000x128xf32, #tpu.memory_space<hbm>>) target(%dma_start3A_186 : memref<128x128xf32, #tpu.memory_space<vmem>>) offsets(%dma_start3A_188 : memref<128xi32, #tpu.memory_space<vmem>>) semaphore(%arg10 : memref<!tpu.dma_semaphore, #tpu.memory_space<semaphore_mem>>)
    %scan3A_192 = arith.constant 0 : i32
    %scan3A_193 = arith.constant 0 : i32
    %scan3A_194 = arith.constant 39 : i32
    %scan3A_195 = arith.addi %scan3A_193, %scan3A_194 : i32
    %scan3A_196 = arith.constant 1 : i32
    scf.for %scan3A_460 = %scan3A_193 to %scan3A_195 step %scan3A_196  : i32 {
      %mul3A_461 = arith.constant 2 : i32
      %mul3A_462 = arith.muli %scan3A_460, %mul3A_461 : i32
      %add3A_463 = arith.constant 0 : i32
      %add3A_464 = arith.addi %mul3A_462, %add3A_463 : i32
      %mul3A_465 = arith.constant 128 : i32
      %mul3A_466 = arith.muli %add3A_464, %mul3A_465 : i32
      %dma_wait3A_467 = arith.constant 0 : i32
      %dma_wait3A_468 = arith.constant 0 : i32
      %dma_wait3A_469 = arith.constant 0 : i32
      %dma_wait3A_470 = tpu.memref_slice %arg8[%dma_wait3A_467, %dma_wait3A_468, %dma_wait3A_469] : memref<2x128x128xf32, #tpu.memory_space<vmem>> -> memref<1x128x128xf32, #tpu.memory_space<vmem>>
      %dma_wait3A_471 = tpu.memref_squeeze %dma_wait3A_470 : memref<1x128x128xf32, #tpu.memory_space<vmem>> -> memref<128x128xf32, #tpu.memory_space<vmem>>
      %dma_wait3A_472 = tpu.memref_slice %arg5[%mul3A_466] : memref<10000xi32, #tpu.memory_space<vmem>> -> memref<128xi32, #tpu.memory_space<vmem>>
      %dma_wait3A_473 = arith.constant 0 : i32
      %dma_wait3A_474 = arith.constant 0 : i32
      %dma_wait3A_475 = tpu.memref_slice %arg2[%dma_wait3A_473, %dma_wait3A_474] : memref<10000x128xf32, #tpu.memory_space<hbm>> -> memref<10000x128xf32, #tpu.memory_space<hbm>>
      tpu.wait_indirect_dma semaphore(%arg10 : memref<!tpu.dma_semaphore, #tpu.memory_space<semaphore_mem>>) src(%dma_wait3A_475 : memref<10000x128xf32, #tpu.memory_space<hbm>>) dst(%dma_wait3A_471 : memref<128x128xf32, #tpu.memory_space<vmem>>)
      %mul3A_476 = arith.constant 128 : i32
      %mul3A_477 = arith.muli %add3A_464, %mul3A_476 : i32
      %add3A_478 = arith.addi %mul3A_2, %mul3A_477 : i32
      %dma_wait3A_479 = tpu.memref_slice %arg3[%add3A_478] : memref<640000xi32, #tpu.memory_space<hbm>> -> memref<128xi32, #tpu.memory_space<hbm>>
      %dma_wait3A_480 = tpu.memref_slice %arg3[%add3A_478] : memref<640000xi32, #tpu.memory_space<hbm>> -> memref<128xi32, #tpu.memory_space<hbm>>
      tpu.wait_dma2 semaphore(%arg11 : memref<!tpu.dma_semaphore, #tpu.memory_space<semaphore_mem>>) src(%dma_wait3A_480 : memref<128xi32, #tpu.memory_space<hbm>>) dst(%arg6 : memref<128xi32, #tpu.memory_space<vmem>>)
      %dma_start3A_481 = arith.constant 0 : i32
      %dma_start3A_482 = arith.constant 0 : i32
      %dma_start3A_483 = arith.constant 0 : i32
      %dma_start3A_484 = tpu.memref_slice %arg8[%dma_start3A_481, %dma_start3A_482, %dma_start3A_483] : memref<2x128x128xf32, #tpu.memory_space<vmem>> -> memref<1x128x128xf32, #tpu.memory_space<vmem>>
      %dma_start3A_485 = tpu.memref_squeeze %dma_start3A_484 : memref<1x128x128xf32, #tpu.memory_space<vmem>> -> memref<128x128xf32, #tpu.memory_space<vmem>>
      %dma_start3A_486 = arith.constant 0 : i32
      %dma_start3A_487 = arith.constant 0 : i32
      %dma_start3A_488 = tpu.memref_slice %arg9[%dma_start3A_486, %dma_start3A_487] : memref<10240x128xf32, #tpu.memory_space<vmem_shared>> -> memref<10240x128xf32, #tpu.memory_space<vmem_shared>>
      tpu.enqueue_indirect_dma source(%dma_start3A_485 : memref<128x128xf32, #tpu.memory_space<vmem>>) target(%dma_start3A_488 : memref<10240x128xf32, #tpu.memory_space<vmem_shared>>) offsets(%arg6 : memref<128xi32, #tpu.memory_space<vmem>>) semaphore(%arg12 : memref<!tpu.dma_semaphore, #tpu.memory_space<semaphore_mem>>) {add = true}
      %add3A_489 = arith.constant 1 : i32
      %add3A_490 = arith.addi %add3A_464, %add3A_489 : i32
      %lt3A = arith.constant 78 : i32
      %lt3A_491 = arith.cmpi slt, %add3A_490, %lt3A : i32
      %convert_element_type3A = arith.extui %lt3A_491 : i1 to i32
      %cond3A = arith.constant 0 : i32
      %cond3A_492 = arith.cmpi ne, %convert_element_type3A, %cond3A : i32
      scf.if %cond3A_492 {
        %ge3A = arith.constant 1 : i32
        %ge3A_528 = arith.cmpi sge, %add3A_464, %ge3A : i32
        %convert_element_type3A_529 = arith.extui %ge3A_528 : i1 to i32
        %cond3A_530 = arith.constant 0 : i32
        %cond3A_531 = arith.cmpi ne, %convert_element_type3A_529, %cond3A_530 : i32
        scf.if %cond3A_531 {
          %dma_wait3A_552 = arith.constant 1 : i32
          %dma_wait3A_553 = arith.constant 0 : i32
          %dma_wait3A_554 = arith.constant 0 : i32
          %dma_wait3A_555 = tpu.memref_slice %arg8[%dma_wait3A_552, %dma_wait3A_553, %dma_wait3A_554] : memref<2x128x128xf32, #tpu.memory_space<vmem>> -> memref<1x128x128xf32, #tpu.memory_space<vmem>>
          %dma_wait3A_556 = tpu.memref_squeeze %dma_wait3A_555 : memref<1x128x128xf32, #tpu.memory_space<vmem>> -> memref<128x128xf32, #tpu.memory_space<vmem>>
          %dma_wait3A_557 = arith.constant 0 : i32
          %dma_wait3A_558 = arith.constant 0 : i32
          %dma_wait3A_559 = tpu.memref_slice %arg9[%dma_wait3A_557, %dma_wait3A_558] : memref<10240x128xf32, #tpu.memory_space<vmem_shared>> -> memref<10240x128xf32, #tpu.memory_space<vmem_shared>>
          tpu.wait_indirect_dma semaphore(%arg12 : memref<!tpu.dma_semaphore, #tpu.memory_space<semaphore_mem>>) src(%dma_wait3A_556 : memref<128x128xf32, #tpu.memory_space<vmem>>) dst(%dma_wait3A_559 : memref<10240x128xf32, #tpu.memory_space<vmem_shared>>)
        } else {
        }
        %add3A_532 = arith.constant 1 : i32
        %add3A_533 = arith.addi %add3A_464, %add3A_532 : i32
        %mul3A_534 = arith.constant 128 : i32
        %mul3A_535 = arith.muli %add3A_533, %mul3A_534 : i32
        %dma_start3A_536 = arith.constant 1 : i32
        %dma_start3A_537 = arith.constant 0 : i32
        %dma_start3A_538 = arith.constant 0 : i32
        %dma_start3A_539 = tpu.memref_slice %arg8[%dma_start3A_536, %dma_start3A_537, %dma_start3A_538] : memref<2x128x128xf32, #tpu.memory_space<vmem>> -> memref<1x128x128xf32, #tpu.memory_space<vmem>>
        %dma_start3A_540 = tpu.memref_squeeze %dma_start3A_539 : memref<1x128x128xf32, #tpu.memory_space<vmem>> -> memref<128x128xf32, #tpu.memory_space<vmem>>
        %dma_start3A_541 = tpu.memref_slice %arg5[%mul3A_535] : memref<10000xi32, #tpu.memory_space<vmem>> -> memref<128xi32, #tpu.memory_space<vmem>>
        %dma_start3A_542 = arith.constant 0 : i32
        %dma_start3A_543 = arith.constant 0 : i32
        %dma_start3A_544 = tpu.memref_slice %arg2[%dma_start3A_542, %dma_start3A_543] : memref<10000x128xf32, #tpu.memory_space<hbm>> -> memref<10000x128xf32, #tpu.memory_space<hbm>>
        tpu.enqueue_indirect_dma source(%dma_start3A_544 : memref<10000x128xf32, #tpu.memory_space<hbm>>) target(%dma_start3A_540 : memref<128x128xf32, #tpu.memory_space<vmem>>) offsets(%dma_start3A_541 : memref<128xi32, #tpu.memory_space<vmem>>) semaphore(%arg10 : memref<!tpu.dma_semaphore, #tpu.memory_space<semaphore_mem>>)
        %add3A_545 = arith.constant 1 : i32
        %add3A_546 = arith.addi %add3A_464, %add3A_545 : i32
        %mul3A_547 = arith.constant 128 : i32
        %mul3A_548 = arith.muli %add3A_546, %mul3A_547 : i32
        %add3A_549 = arith.addi %mul3A_2, %mul3A_548 : i32
        %dma_start3A_550 = tpu.memref_slice %arg3[%add3A_549] : memref<640000xi32, #tpu.memory_space<hbm>> -> memref<128xi32, #tpu.memory_space<hbm>>
        %dma_start3A_551 = tpu.memref_slice %arg3[%add3A_549] : memref<640000xi32, #tpu.memory_space<hbm>> -> memref<128xi32, #tpu.memory_space<hbm>>
        tpu.enqueue_dma source(%dma_start3A_551 : memref<128xi32, #tpu.memory_space<hbm>>) target(%arg7 : memref<128xi32, #tpu.memory_space<vmem>>) target_semaphore(%arg11 : memref<!tpu.dma_semaphore, #tpu.memory_space<semaphore_mem>>)
      } else {
      }
      %mul3A_493 = arith.constant 2 : i32
      %mul3A_494 = arith.muli %scan3A_460, %mul3A_493 : i32
      %add3A_495 = arith.constant 1 : i32
      %add3A_496 = arith.addi %mul3A_494, %add3A_495 : i32
      %mul3A_497 = arith.constant 128 : i32
      %mul3A_498 = arith.muli %add3A_496, %mul3A_497 : i32
      %dma_wait3A_499 = arith.constant 1 : i32
      %dma_wait3A_500 = arith.constant 0 : i32
      %dma_wait3A_501 = arith.constant 0 : i32
      %dma_wait3A_502 = tpu.memref_slice %arg8[%dma_wait3A_499, %dma_wait3A_500, %dma_wait3A_501] : memref<2x128x128xf32, #tpu.memory_space<vmem>> -> memref<1x128x128xf32, #tpu.memory_space<vmem>>
      %dma_wait3A_503 = tpu.memref_squeeze %dma_wait3A_502 : memref<1x128x128xf32, #tpu.memory_space<vmem>> -> memref<128x128xf32, #tpu.memory_space<vmem>>
      %dma_wait3A_504 = tpu.memref_slice %arg5[%mul3A_498] : memref<10000xi32, #tpu.memory_space<vmem>> -> memref<128xi32, #tpu.memory_space<vmem>>
      %dma_wait3A_505 = arith.constant 0 : i32
      %dma_wait3A_506 = arith.constant 0 : i32
      %dma_wait3A_507 = tpu.memref_slice %arg2[%dma_wait3A_505, %dma_wait3A_506] : memref<10000x128xf32, #tpu.memory_space<hbm>> -> memref<10000x128xf32, #tpu.memory_space<hbm>>
      tpu.wait_indirect_dma semaphore(%arg10 : memref<!tpu.dma_semaphore, #tpu.memory_space<semaphore_mem>>) src(%dma_wait3A_507 : memref<10000x128xf32, #tpu.memory_space<hbm>>) dst(%dma_wait3A_503 : memref<128x128xf32, #tpu.memory_space<vmem>>)
      %mul3A_508 = arith.constant 128 : i32
      %mul3A_509 = arith.muli %add3A_496, %mul3A_508 : i32
      %add3A_510 = arith.addi %mul3A_2, %mul3A_509 : i32
      %dma_wait3A_511 = tpu.memref_slice %arg3[%add3A_510] : memref<640000xi32, #tpu.memory_space<hbm>> -> memref<128xi32, #tpu.memory_space<hbm>>
      %dma_wait3A_512 = tpu.memref_slice %arg3[%add3A_510] : memref<640000xi32, #tpu.memory_space<hbm>> -> memref<128xi32, #tpu.memory_space<hbm>>
      tpu.wait_dma2 semaphore(%arg11 : memref<!tpu.dma_semaphore, #tpu.memory_space<semaphore_mem>>) src(%dma_wait3A_512 : memref<128xi32, #tpu.memory_space<hbm>>) dst(%arg7 : memref<128xi32, #tpu.memory_space<vmem>>)
      %dma_start3A_513 = arith.constant 1 : i32
      %dma_start3A_514 = arith.constant 0 : i32
      %dma_start3A_515 = arith.constant 0 : i32
      %dma_start3A_516 = tpu.memref_slice %arg8[%dma_start3A_513, %dma_start3A_514, %dma_start3A_515] : memref<2x128x128xf32, #tpu.memory_space<vmem>> -> memref<1x128x128xf32, #tpu.memory_space<vmem>>
      %dma_start3A_517 = tpu.memref_squeeze %dma_start3A_516 : memref<1x128x128xf32, #tpu.memory_space<vmem>> -> memref<128x128xf32, #tpu.memory_space<vmem>>
      %dma_start3A_518 = arith.constant 0 : i32
      %dma_start3A_519 = arith.constant 0 : i32
      %dma_start3A_520 = tpu.memref_slice %arg9[%dma_start3A_518, %dma_start3A_519] : memref<10240x128xf32, #tpu.memory_space<vmem_shared>> -> memref<10240x128xf32, #tpu.memory_space<vmem_shared>>
      tpu.enqueue_indirect_dma source(%dma_start3A_517 : memref<128x128xf32, #tpu.memory_space<vmem>>) target(%dma_start3A_520 : memref<10240x128xf32, #tpu.memory_space<vmem_shared>>) offsets(%arg7 : memref<128xi32, #tpu.memory_space<vmem>>) semaphore(%arg12 : memref<!tpu.dma_semaphore, #tpu.memory_space<semaphore_mem>>) {add = true}
      %add3A_521 = arith.constant 1 : i32
      %add3A_522 = arith.addi %add3A_496, %add3A_521 : i32
      %lt3A_523 = arith.constant 78 : i32
      %lt3A_524 = arith.cmpi slt, %add3A_522, %lt3A_523 : i32
      %convert_element_type3A_525 = arith.extui %lt3A_524 : i1 to i32
      %cond3A_526 = arith.constant 0 : i32
      %cond3A_527 = arith.cmpi ne, %convert_element_type3A_525, %cond3A_526 : i32
      scf.if %cond3A_527 {
        %ge3A = arith.constant 1 : i32
        %ge3A_528 = arith.cmpi sge, %add3A_496, %ge3A : i32
        %convert_element_type3A_529 = arith.extui %ge3A_528 : i1 to i32
        %cond3A_530 = arith.constant 0 : i32
        %cond3A_531 = arith.cmpi ne, %convert_element_type3A_529, %cond3A_530 : i32
        scf.if %cond3A_531 {
          %dma_wait3A_552 = arith.constant 0 : i32
          %dma_wait3A_553 = arith.constant 0 : i32
          %dma_wait3A_554 = arith.constant 0 : i32
          %dma_wait3A_555 = tpu.memref_slice %arg8[%dma_wait3A_552, %dma_wait3A_553, %dma_wait3A_554] : memref<2x128x128xf32, #tpu.memory_space<vmem>> -> memref<1x128x128xf32, #tpu.memory_space<vmem>>
          %dma_wait3A_556 = tpu.memref_squeeze %dma_wait3A_555 : memref<1x128x128xf32, #tpu.memory_space<vmem>> -> memref<128x128xf32, #tpu.memory_space<vmem>>
          %dma_wait3A_557 = arith.constant 0 : i32
          %dma_wait3A_558 = arith.constant 0 : i32
          %dma_wait3A_559 = tpu.memref_slice %arg9[%dma_wait3A_557, %dma_wait3A_558] : memref<10240x128xf32, #tpu.memory_space<vmem_shared>> -> memref<10240x128xf32, #tpu.memory_space<vmem_shared>>
          tpu.wait_indirect_dma semaphore(%arg12 : memref<!tpu.dma_semaphore, #tpu.memory_space<semaphore_mem>>) src(%dma_wait3A_556 : memref<128x128xf32, #tpu.memory_space<vmem>>) dst(%dma_wait3A_559 : memref<10240x128xf32, #tpu.memory_space<vmem_shared>>)
        } else {
        }
        %add3A_532 = arith.constant 1 : i32
        %add3A_533 = arith.addi %add3A_496, %add3A_532 : i32
        %mul3A_534 = arith.constant 128 : i32
        %mul3A_535 = arith.muli %add3A_533, %mul3A_534 : i32
        %dma_start3A_536 = arith.constant 0 : i32
        %dma_start3A_537 = arith.constant 0 : i32
        %dma_start3A_538 = arith.constant 0 : i32
        %dma_start3A_539 = tpu.memref_slice %arg8[%dma_start3A_536, %dma_start3A_537, %dma_start3A_538] : memref<2x128x128xf32, #tpu.memory_space<vmem>> -> memref<1x128x128xf32, #tpu.memory_space<vmem>>
        %dma_start3A_540 = tpu.memref_squeeze %dma_start3A_539 : memref<1x128x128xf32, #tpu.memory_space<vmem>> -> memref<128x128xf32, #tpu.memory_space<vmem>>
        %dma_start3A_541 = tpu.memref_slice %arg5[%mul3A_535] : memref<10000xi32, #tpu.memory_space<vmem>> -> memref<128xi32, #tpu.memory_space<vmem>>
        %dma_start3A_542 = arith.constant 0 : i32
        %dma_start3A_543 = arith.constant 0 : i32
        %dma_start3A_544 = tpu.memref_slice %arg2[%dma_start3A_542, %dma_start3A_543] : memref<10000x128xf32, #tpu.memory_space<hbm>> -> memref<10000x128xf32, #tpu.memory_space<hbm>>
        tpu.enqueue_indirect_dma source(%dma_start3A_544 : memref<10000x128xf32, #tpu.memory_space<hbm>>) target(%dma_start3A_540 : memref<128x128xf32, #tpu.memory_space<vmem>>) offsets(%dma_start3A_541 : memref<128xi32, #tpu.memory_space<vmem>>) semaphore(%arg10 : memref<!tpu.dma_semaphore, #tpu.memory_space<semaphore_mem>>)
        %add3A_545 = arith.constant 1 : i32
        %add3A_546 = arith.addi %add3A_496, %add3A_545 : i32
        %mul3A_547 = arith.constant 128 : i32
        %mul3A_548 = arith.muli %add3A_546, %mul3A_547 : i32
        %add3A_549 = arith.addi %mul3A_2, %mul3A_548 : i32
        %dma_start3A_550 = tpu.memref_slice %arg3[%add3A_549] : memref<640000xi32, #tpu.memory_space<hbm>> -> memref<128xi32, #tpu.memory_space<hbm>>
        %dma_start3A_551 = tpu.memref_slice %arg3[%add3A_549] : memref<640000xi32, #tpu.memory_space<hbm>> -> memref<128xi32, #tpu.memory_space<hbm>>
        tpu.enqueue_dma source(%dma_start3A_551 : memref<128xi32, #tpu.memory_space<hbm>>) target(%arg6 : memref<128xi32, #tpu.memory_space<vmem>>) target_semaphore(%arg11 : memref<!tpu.dma_semaphore, #tpu.memory_space<semaphore_mem>>)
      } else {
      }
    }
    %scan3A_197 = arith.constant 39 : i32
    %dma_wait3A_198 = arith.constant 0 : i32
    %dma_wait3A_199 = arith.constant 0 : i32
    %dma_wait3A_200 = arith.constant 0 : i32
    %dma_wait3A_201 = tpu.memref_slice %arg8[%dma_wait3A_198, %dma_wait3A_199, %dma_wait3A_200] : memref<2x128x128xf32, #tpu.memory_space<vmem>> -> memref<1x128x128xf32, #tpu.memory_space<vmem>>
    %dma_wait3A_202 = tpu.memref_squeeze %dma_wait3A_201 : memref<1x128x128xf32, #tpu.memory_space<vmem>> -> memref<128x128xf32, #tpu.memory_space<vmem>>
    %dma_wait3A_203 = arith.constant 0 : i32
    %dma_wait3A_204 = arith.constant 0 : i32
    %dma_wait3A_205 = tpu.memref_slice %arg9[%dma_wait3A_203, %dma_wait3A_204] : memref<10240x128xf32, #tpu.memory_space<vmem_shared>> -> memref<10240x128xf32, #tpu.memory_space<vmem_shared>>
    tpu.wait_indirect_dma semaphore(%arg12 : memref<!tpu.dma_semaphore, #tpu.memory_space<semaphore_mem>>) src(%dma_wait3A_202 : memref<128x128xf32, #tpu.memory_space<vmem>>) dst(%dma_wait3A_205 : memref<10240x128xf32, #tpu.memory_space<vmem_shared>>)
    %dma_wait3A_206 = arith.constant 1 : i32
    %dma_wait3A_207 = arith.constant 0 : i32
    %dma_wait3A_208 = arith.constant 0 : i32
    %dma_wait3A_209 = tpu.memref_slice %arg8[%dma_wait3A_206, %dma_wait3A_207, %dma_wait3A_208] : memref<2x128x128xf32, #tpu.memory_space<vmem>> -> memref<1x128x128xf32, #tpu.memory_space<vmem>>
    %dma_wait3A_210 = tpu.memref_squeeze %dma_wait3A_209 : memref<1x128x128xf32, #tpu.memory_space<vmem>> -> memref<128x128xf32, #tpu.memory_space<vmem>>
    %dma_wait3A_211 = arith.constant 0 : i32
    %dma_wait3A_212 = arith.constant 0 : i32
    %dma_wait3A_213 = tpu.memref_slice %arg9[%dma_wait3A_211, %dma_wait3A_212] : memref<10240x128xf32, #tpu.memory_space<vmem_shared>> -> memref<10240x128xf32, #tpu.memory_space<vmem_shared>>
    tpu.wait_indirect_dma semaphore(%arg12 : memref<!tpu.dma_semaphore, #tpu.memory_space<semaphore_mem>>) src(%dma_wait3A_210 : memref<128x128xf32, #tpu.memory_space<vmem>>) dst(%dma_wait3A_213 : memref<10240x128xf32, #tpu.memory_space<vmem_shared>>)
    %dma_start3A_214 = arith.constant 0 : i32
    %dma_start3A_215 = arith.constant 0 : i32
    %dma_start3A_216 = arith.constant 0 : i32
    %dma_start3A_217 = tpu.memref_slice %arg8[%dma_start3A_214, %dma_start3A_215, %dma_start3A_216] : memref<2x128x128xf32, #tpu.memory_space<vmem>> -> memref<1x16x128xf32, #tpu.memory_space<vmem>>
    %dma_start3A_218 = tpu.memref_squeeze %dma_start3A_217 : memref<1x16x128xf32, #tpu.memory_space<vmem>> -> memref<16x128xf32, #tpu.memory_space<vmem>>
    %dma_start3A_219 = arith.constant 9984 : i32
    %dma_start3A_220 = tpu.memref_slice %arg5[%dma_start3A_219] : memref<10000xi32, #tpu.memory_space<vmem>> -> memref<16xi32, #tpu.memory_space<vmem>>
    %dma_start3A_221 = arith.constant 0 : i32
    %dma_start3A_222 = arith.constant 0 : i32
    %dma_start3A_223 = tpu.memref_slice %arg2[%dma_start3A_221, %dma_start3A_222] : memref<10000x128xf32, #tpu.memory_space<hbm>> -> memref<10000x128xf32, #tpu.memory_space<hbm>>
    tpu.enqueue_indirect_dma source(%dma_start3A_223 : memref<10000x128xf32, #tpu.memory_space<hbm>>) target(%dma_start3A_218 : memref<16x128xf32, #tpu.memory_space<vmem>>) offsets(%dma_start3A_220 : memref<16xi32, #tpu.memory_space<vmem>>) semaphore(%arg10 : memref<!tpu.dma_semaphore, #tpu.memory_space<semaphore_mem>>)
    %dma_wait3A_224 = arith.constant 0 : i32
    %dma_wait3A_225 = arith.constant 0 : i32
    %dma_wait3A_226 = arith.constant 0 : i32
    %dma_wait3A_227 = tpu.memref_slice %arg8[%dma_wait3A_224, %dma_wait3A_225, %dma_wait3A_226] : memref<2x128x128xf32, #tpu.memory_space<vmem>> -> memref<1x16x128xf32, #tpu.memory_space<vmem>>
    %dma_wait3A_228 = tpu.memref_squeeze %dma_wait3A_227 : memref<1x16x128xf32, #tpu.memory_space<vmem>> -> memref<16x128xf32, #tpu.memory_space<vmem>>
    %dma_wait3A_229 = arith.constant 9984 : i32
    %dma_wait3A_230 = tpu.memref_slice %arg5[%dma_wait3A_229] : memref<10000xi32, #tpu.memory_space<vmem>> -> memref<16xi32, #tpu.memory_space<vmem>>
    %dma_wait3A_231 = arith.constant 0 : i32
    %dma_wait3A_232 = arith.constant 0 : i32
    %dma_wait3A_233 = tpu.memref_slice %arg2[%dma_wait3A_231, %dma_wait3A_232] : memref<10000x128xf32, #tpu.memory_space<hbm>> -> memref<10000x128xf32, #tpu.memory_space<hbm>>
    tpu.wait_indirect_dma semaphore(%arg10 : memref<!tpu.dma_semaphore, #tpu.memory_space<semaphore_mem>>) src(%dma_wait3A_233 : memref<10000x128xf32, #tpu.memory_space<hbm>>) dst(%dma_wait3A_228 : memref<16x128xf32, #tpu.memory_space<vmem>>)
    %add3A_234 = arith.constant 9984 : i32
    %add3A_235 = arith.addi %mul3A_2, %add3A_234 : i32
    "tpu.region"() ({
      %run_scoped3A_460 = tpu.sem_alloc : memref<!tpu.dma_semaphore, #tpu.memory_space<semaphore_mem>>
      %dma_start3A_461 = arith.constant 0 : i32
      %dma_start3A_462 = tpu.memref_slice %arg6[%dma_start3A_461] : memref<128xi32, #tpu.memory_space<vmem>> -> memref<16xi32, #tpu.memory_space<vmem>>
      %dma_start3A_463 = tpu.memref_slice %arg3[%add3A_235] : memref<640000xi32, #tpu.memory_space<hbm>> -> memref<16xi32, #tpu.memory_space<hbm>>
      %dma_start3A_464 = arith.constant 0 : i32
      %dma_start3A_465 = tpu.memref_slice %arg6[%dma_start3A_464] : memref<128xi32, #tpu.memory_space<vmem>> -> memref<16xi32, #tpu.memory_space<vmem>>
      %dma_start3A_466 = tpu.memref_slice %arg3[%add3A_235] : memref<640000xi32, #tpu.memory_space<hbm>> -> memref<16xi32, #tpu.memory_space<hbm>>
      tpu.enqueue_dma source(%dma_start3A_466 : memref<16xi32, #tpu.memory_space<hbm>>) target(%dma_start3A_465 : memref<16xi32, #tpu.memory_space<vmem>>) target_semaphore(%run_scoped3A_460 : memref<!tpu.dma_semaphore, #tpu.memory_space<semaphore_mem>>)
      %dma_wait3A_467 = arith.constant 0 : i32
      %dma_wait3A_468 = tpu.memref_slice %arg6[%dma_wait3A_467] : memref<128xi32, #tpu.memory_space<vmem>> -> memref<16xi32, #tpu.memory_space<vmem>>
      %dma_wait3A_469 = tpu.memref_slice %arg3[%add3A_235] : memref<640000xi32, #tpu.memory_space<hbm>> -> memref<16xi32, #tpu.memory_space<hbm>>
      %dma_wait3A_470 = arith.constant 0 : i32
      %dma_wait3A_471 = tpu.memref_slice %arg6[%dma_wait3A_470] : memref<128xi32, #tpu.memory_space<vmem>> -> memref<16xi32, #tpu.memory_space<vmem>>
      %dma_wait3A_472 = tpu.memref_slice %arg3[%add3A_235] : memref<640000xi32, #tpu.memory_space<hbm>> -> memref<16xi32, #tpu.memory_space<hbm>>
      tpu.wait_dma2 semaphore(%run_scoped3A_460 : memref<!tpu.dma_semaphore, #tpu.memory_space<semaphore_mem>>) src(%dma_wait3A_472 : memref<16xi32, #tpu.memory_space<hbm>>) dst(%dma_wait3A_471 : memref<16xi32, #tpu.memory_space<vmem>>)
      tpu.yield
    }) : () -> ()
    %run_scoped3A = arith.constant 0 : i32
    "tpu.region"() ({
      %run_scoped3A_460 = tpu.sem_alloc : memref<!tpu.dma_semaphore, #tpu.memory_space<semaphore_mem>>
      %dma_start3A_461 = arith.constant 0 : i32
      %dma_start3A_462 = arith.constant 0 : i32
      %dma_start3A_463 = tpu.memref_slice %arg8[%run_scoped3A, %dma_start3A_461, %dma_start3A_462] : memref<2x128x128xf32, #tpu.memory_space<vmem>> -> memref<1x16x128xf32, #tpu.memory_space<vmem>>
      %dma_start3A_464 = tpu.memref_squeeze %dma_start3A_463 : memref<1x16x128xf32, #tpu.memory_space<vmem>> -> memref<16x128xf32, #tpu.memory_space<vmem>>
      %dma_start3A_465 = arith.constant 0 : i32
      %dma_start3A_466 = tpu.memref_slice %arg6[%dma_start3A_465] : memref<128xi32, #tpu.memory_space<vmem>> -> memref<16xi32, #tpu.memory_space<vmem>>
      %dma_start3A_467 = arith.constant 0 : i32
      %dma_start3A_468 = arith.constant 0 : i32
      %dma_start3A_469 = tpu.memref_slice %arg9[%dma_start3A_467, %dma_start3A_468] : memref<10240x128xf32, #tpu.memory_space<vmem_shared>> -> memref<10240x128xf32, #tpu.memory_space<vmem_shared>>
      tpu.enqueue_indirect_dma source(%dma_start3A_464 : memref<16x128xf32, #tpu.memory_space<vmem>>) target(%dma_start3A_469 : memref<10240x128xf32, #tpu.memory_space<vmem_shared>>) offsets(%dma_start3A_466 : memref<16xi32, #tpu.memory_space<vmem>>) semaphore(%run_scoped3A_460 : memref<!tpu.dma_semaphore, #tpu.memory_space<semaphore_mem>>) {add = true}
      %dma_wait3A_470 = arith.constant 0 : i32
      %dma_wait3A_471 = arith.constant 0 : i32
      %dma_wait3A_472 = tpu.memref_slice %arg8[%run_scoped3A, %dma_wait3A_470, %dma_wait3A_471] : memref<2x128x128xf32, #tpu.memory_space<vmem>> -> memref<1x16x128xf32, #tpu.memory_space<vmem>>
      %dma_wait3A_473 = tpu.memref_squeeze %dma_wait3A_472 : memref<1x16x128xf32, #tpu.memory_space<vmem>> -> memref<16x128xf32, #tpu.memory_space<vmem>>
      %dma_wait3A_474 = arith.constant 0 : i32
      %dma_wait3A_475 = tpu.memref_slice %arg6[%dma_wait3A_474] : memref<128xi32, #tpu.memory_space<vmem>> -> memref<16xi32, #tpu.memory_space<vmem>>
      %dma_wait3A_476 = arith.constant 0 : i32
      %dma_wait3A_477 = arith.constant 0 : i32
      %dma_wait3A_478 = tpu.memref_slice %arg9[%dma_wait3A_476, %dma_wait3A_477] : memref<10240x128xf32, #tpu.memory_space<vmem_shared>> -> memref<10240x128xf32, #tpu.memory_space<vmem_shared>>
      tpu.wait_indirect_dma semaphore(%run_scoped3A_460 : memref<!tpu.dma_semaphore, #tpu.memory_space<semaphore_mem>>) src(%dma_wait3A_473 : memref<16x128xf32, #tpu.memory_space<vmem>>) dst(%dma_wait3A_478 : memref<10240x128xf32, #tpu.memory_space<vmem_shared>>)
      tpu.yield
    }) : () -> ()
    %barrier3A_236 = arith.constant 0 : index
    tpu.barrier barrier_id(%barrier3A_236)
    %mul3A_237 = arith.constant 640 : i32
    %mul3A_238 = arith.muli %arg1, %mul3A_237 : i32
    %run_scoped3A_239 = arith.constant 0 : i32
    "tpu.region"() ({
      %run_scoped3A_460 = tpu.sem_alloc : memref<!tpu.dma_semaphore, #tpu.memory_space<semaphore_mem>>
      %dma_start3A_461 = arith.constant 0 : i32
      %dma_start3A_462 = arith.constant 0 : i32
      %dma_start3A_463 = tpu.memref_slice %arg8[%run_scoped3A_239, %dma_start3A_461, %dma_start3A_462] : memref<2x128x128xf32, #tpu.memory_space<vmem>> -> memref<1x128x128xf32, #tpu.memory_space<vmem>>
      %dma_start3A_464 = tpu.memref_squeeze %dma_start3A_463 : memref<1x128x128xf32, #tpu.memory_space<vmem>> -> memref<128x128xf32, #tpu.memory_space<vmem>>
      %dma_start3A_465 = arith.constant 0 : i32
      %dma_start3A_466 = tpu.memref_slice %arg9[%mul3A_238, %dma_start3A_465] : memref<10240x128xf32, #tpu.memory_space<vmem_shared>> -> memref<128x128xf32, #tpu.memory_space<vmem_shared>>
      %dma_start3A_467 = arith.constant 0 : i32
      %dma_start3A_468 = arith.constant 0 : i32
      %dma_start3A_469 = tpu.memref_slice %arg8[%run_scoped3A_239, %dma_start3A_467, %dma_start3A_468] : memref<2x128x128xf32, #tpu.memory_space<vmem>> -> memref<1x128x128xf32, #tpu.memory_space<vmem>>
      %dma_start3A_470 = tpu.memref_squeeze %dma_start3A_469 : memref<1x128x128xf32, #tpu.memory_space<vmem>> -> memref<128x128xf32, #tpu.memory_space<vmem>>
      %dma_start3A_471 = arith.constant 0 : i32
      %dma_start3A_472 = tpu.memref_slice %arg9[%mul3A_238, %dma_start3A_471] : memref<10240x128xf32, #tpu.memory_space<vmem_shared>> -> memref<128x128xf32, #tpu.memory_space<vmem_shared>>
      tpu.enqueue_dma source(%dma_start3A_472 : memref<128x128xf32, #tpu.memory_space<vmem_shared>>) target(%dma_start3A_470 : memref<128x128xf32, #tpu.memory_space<vmem>>) target_semaphore(%run_scoped3A_460 : memref<!tpu.dma_semaphore, #tpu.memory_space<semaphore_mem>>)
      %dma_wait3A_473 = arith.constant 0 : i32
      %dma_wait3A_474 = arith.constant 0 : i32
      %dma_wait3A_475 = tpu.memref_slice %arg8[%run_scoped3A_239, %dma_wait3A_473, %dma_wait3A_474] : memref<2x128x128xf32, #tpu.memory_space<vmem>> -> memref<1x128x128xf32, #tpu.memory_space<vmem>>
      %dma_wait3A_476 = tpu.memref_squeeze %dma_wait3A_475 : memref<1x128x128xf32, #tpu.memory_space<vmem>> -> memref<128x128xf32, #tpu.memory_space<vmem>>
      %dma_wait3A_477 = arith.constant 0 : i32
      %dma_wait3A_478 = tpu.memref_slice %arg9[%mul3A_238, %dma_wait3A_477] : memref<10240x128xf32, #tpu.memory_space<vmem_shared>> -> memref<128x128xf32, #tpu.memory_space<vmem_shared>>
      %dma_wait3A_479 = arith.constant 0 : i32
      %dma_wait3A_480 = arith.constant 0 : i32
      %dma_wait3A_481 = tpu.memref_slice %arg8[%run_scoped3A_239, %dma_wait3A_479, %dma_wait3A_480] : memref<2x128x128xf32, #tpu.memory_space<vmem>> -> memref<1x128x128xf32, #tpu.memory_space<vmem>>
      %dma_wait3A_482 = tpu.memref_squeeze %dma_wait3A_481 : memref<1x128x128xf32, #tpu.memory_space<vmem>> -> memref<128x128xf32, #tpu.memory_space<vmem>>
      %dma_wait3A_483 = arith.constant 0 : i32
      %dma_wait3A_484 = tpu.memref_slice %arg9[%mul3A_238, %dma_wait3A_483] : memref<10240x128xf32, #tpu.memory_space<vmem_shared>> -> memref<128x128xf32, #tpu.memory_space<vmem_shared>>
      tpu.wait_dma2 semaphore(%run_scoped3A_460 : memref<!tpu.dma_semaphore, #tpu.memory_space<semaphore_mem>>) src(%dma_wait3A_484 : memref<128x128xf32, #tpu.memory_space<vmem_shared>>) dst(%dma_wait3A_482 : memref<128x128xf32, #tpu.memory_space<vmem>>)
      tpu.yield
    }) : () -> ()
    %mul3A_240 = arith.constant 10240 : i32
    %mul3A_241 = arith.muli %arg0, %mul3A_240 : i32
    %mul3A_242 = arith.constant 640 : i32
    %mul3A_243 = arith.muli %arg1, %mul3A_242 : i32
    %add3A_244 = arith.addi %mul3A_241, %mul3A_243 : i32
    %add3A_245 = arith.constant 0 : i32
    %add3A_246 = arith.addi %add3A_244, %add3A_245 : i32
    %dma_start3A_247 = arith.constant 0 : i32
    %dma_start3A_248 = arith.constant 0 : i32
    %dma_start3A_249 = arith.constant 0 : i32
    %dma_start3A_250 = tpu.memref_slice %arg8[%dma_start3A_247, %dma_start3A_248, %dma_start3A_249] : memref<2x128x128xf32, #tpu.memory_space<vmem>> -> memref<1x128x128xf32, #tpu.memory_space<vmem>>
    %dma_start3A_251 = tpu.memref_squeeze %dma_start3A_250 : memref<1x128x128xf32, #tpu.memory_space<vmem>> -> memref<128x128xf32, #tpu.memory_space<vmem>>
    %dma_start3A_252 = arith.constant 0 : i32
    %dma_start3A_253 = tpu.memref_slice %arg4[%add3A_246, %dma_start3A_252] : memref<20480x128xf32, #tpu.memory_space<hbm>> -> memref<128x128xf32, #tpu.memory_space<hbm>>
    %dma_start3A_254 = arith.constant 0 : i32
    %dma_start3A_255 = tpu.memref_slice %arg4[%add3A_246, %dma_start3A_254] : memref<20480x128xf32, #tpu.memory_space<hbm>> -> memref<128x128xf32, #tpu.memory_space<hbm>>
    %dma_start3A_256 = arith.constant 0 : i32
    %dma_start3A_257 = arith.constant 0 : i32
    %dma_start3A_258 = tpu.memref_slice %arg8[%dma_start3A_247, %dma_start3A_256, %dma_start3A_257] : memref<2x128x128xf32, #tpu.memory_space<vmem>> -> memref<1x128x128xf32, #tpu.memory_space<vmem>>
    %dma_start3A_259 = tpu.memref_squeeze %dma_start3A_258 : memref<1x128x128xf32, #tpu.memory_space<vmem>> -> memref<128x128xf32, #tpu.memory_space<vmem>>
    tpu.enqueue_dma source(%dma_start3A_259 : memref<128x128xf32, #tpu.memory_space<vmem>>) target(%dma_start3A_255 : memref<128x128xf32, #tpu.memory_space<hbm>>) target_semaphore(%arg12 : memref<!tpu.dma_semaphore, #tpu.memory_space<semaphore_mem>>)
    %mul3A_260 = arith.constant 640 : i32
    %mul3A_261 = arith.muli %arg1, %mul3A_260 : i32
    %add3A_262 = arith.constant 128 : i32
    %add3A_263 = arith.addi %mul3A_261, %add3A_262 : i32
    %run_scoped3A_264 = arith.constant 1 : i32
    "tpu.region"() ({
      %run_scoped3A_460 = tpu.sem_alloc : memref<!tpu.dma_semaphore, #tpu.memory_space<semaphore_mem>>
      %dma_start3A_461 = arith.constant 0 : i32
      %dma_start3A_462 = arith.constant 0 : i32
      %dma_start3A_463 = tpu.memref_slice %arg8[%run_scoped3A_264, %dma_start3A_461, %dma_start3A_462] : memref<2x128x128xf32, #tpu.memory_space<vmem>> -> memref<1x128x128xf32, #tpu.memory_space<vmem>>
      %dma_start3A_464 = tpu.memref_squeeze %dma_start3A_463 : memref<1x128x128xf32, #tpu.memory_space<vmem>> -> memref<128x128xf32, #tpu.memory_space<vmem>>
      %dma_start3A_465 = arith.constant 0 : i32
      %dma_start3A_466 = tpu.memref_slice %arg9[%add3A_263, %dma_start3A_465] : memref<10240x128xf32, #tpu.memory_space<vmem_shared>> -> memref<128x128xf32, #tpu.memory_space<vmem_shared>>
      %dma_start3A_467 = arith.constant 0 : i32
      %dma_start3A_468 = arith.constant 0 : i32
      %dma_start3A_469 = tpu.memref_slice %arg8[%run_scoped3A_264, %dma_start3A_467, %dma_start3A_468] : memref<2x128x128xf32, #tpu.memory_space<vmem>> -> memref<1x128x128xf32, #tpu.memory_space<vmem>>
      %dma_start3A_470 = tpu.memref_squeeze %dma_start3A_469 : memref<1x128x128xf32, #tpu.memory_space<vmem>> -> memref<128x128xf32, #tpu.memory_space<vmem>>
      %dma_start3A_471 = arith.constant 0 : i32
      %dma_start3A_472 = tpu.memref_slice %arg9[%add3A_263, %dma_start3A_471] : memref<10240x128xf32, #tpu.memory_space<vmem_shared>> -> memref<128x128xf32, #tpu.memory_space<vmem_shared>>
      tpu.enqueue_dma source(%dma_start3A_472 : memref<128x128xf32, #tpu.memory_space<vmem_shared>>) target(%dma_start3A_470 : memref<128x128xf32, #tpu.memory_space<vmem>>) target_semaphore(%run_scoped3A_460 : memref<!tpu.dma_semaphore, #tpu.memory_space<semaphore_mem>>)
      %dma_wait3A_473 = arith.constant 0 : i32
      %dma_wait3A_474 = arith.constant 0 : i32
      %dma_wait3A_475 = tpu.memref_slice %arg8[%run_scoped3A_264, %dma_wait3A_473, %dma_wait3A_474] : memref<2x128x128xf32, #tpu.memory_space<vmem>> -> memref<1x128x128xf32, #tpu.memory_space<vmem>>
      %dma_wait3A_476 = tpu.memref_squeeze %dma_wait3A_475 : memref<1x128x128xf32, #tpu.memory_space<vmem>> -> memref<128x128xf32, #tpu.memory_space<vmem>>
      %dma_wait3A_477 = arith.constant 0 : i32
      %dma_wait3A_478 = tpu.memref_slice %arg9[%add3A_263, %dma_wait3A_477] : memref<10240x128xf32, #tpu.memory_space<vmem_shared>> -> memref<128x128xf32, #tpu.memory_space<vmem_shared>>
      %dma_wait3A_479 = arith.constant 0 : i32
      %dma_wait3A_480 = arith.constant 0 : i32
      %dma_wait3A_481 = tpu.memref_slice %arg8[%run_scoped3A_264, %dma_wait3A_479, %dma_wait3A_480] : memref<2x128x128xf32, #tpu.memory_space<vmem>> -> memref<1x128x128xf32, #tpu.memory_space<vmem>>
      %dma_wait3A_482 = tpu.memref_squeeze %dma_wait3A_481 : memref<1x128x128xf32, #tpu.memory_space<vmem>> -> memref<128x128xf32, #tpu.memory_space<vmem>>
      %dma_wait3A_483 = arith.constant 0 : i32
      %dma_wait3A_484 = tpu.memref_slice %arg9[%add3A_263, %dma_wait3A_483] : memref<10240x128xf32, #tpu.memory_space<vmem_shared>> -> memref<128x128xf32, #tpu.memory_space<vmem_shared>>
      tpu.wait_dma2 semaphore(%run_scoped3A_460 : memref<!tpu.dma_semaphore, #tpu.memory_space<semaphore_mem>>) src(%dma_wait3A_484 : memref<128x128xf32, #tpu.memory_space<vmem_shared>>) dst(%dma_wait3A_482 : memref<128x128xf32, #tpu.memory_space<vmem>>)
      tpu.yield
    }) : () -> ()
    %mul3A_265 = arith.constant 10240 : i32
    %mul3A_266 = arith.muli %arg0, %mul3A_265 : i32
    %mul3A_267 = arith.constant 640 : i32
    %mul3A_268 = arith.muli %arg1, %mul3A_267 : i32
    %add3A_269 = arith.addi %mul3A_266, %mul3A_268 : i32
    %add3A_270 = arith.constant 128 : i32
    %add3A_271 = arith.addi %add3A_269, %add3A_270 : i32
    %dma_start3A_272 = arith.constant 1 : i32
    %dma_start3A_273 = arith.constant 0 : i32
    %dma_start3A_274 = arith.constant 0 : i32
    %dma_start3A_275 = tpu.memref_slice %arg8[%dma_start3A_272, %dma_start3A_273, %dma_start3A_274] : memref<2x128x128xf32, #tpu.memory_space<vmem>> -> memref<1x128x128xf32, #tpu.memory_space<vmem>>
    %dma_start3A_276 = tpu.memref_squeeze %dma_start3A_275 : memref<1x128x128xf32, #tpu.memory_space<vmem>> -> memref<128x128xf32, #tpu.memory_space<vmem>>
    %dma_start3A_277 = arith.constant 0 : i32
    %dma_start3A_278 = tpu.memref_slice %arg4[%add3A_271, %dma_start3A_277] : memref<20480x128xf32, #tpu.memory_space<hbm>> -> memref<128x128xf32, #tpu.memory_space<hbm>>
    %dma_start3A_279 = arith.constant 0 : i32
    %dma_start3A_280 = tpu.memref_slice %arg4[%add3A_271, %dma_start3A_279] : memref<20480x128xf32, #tpu.memory_space<hbm>> -> memref<128x128xf32, #tpu.memory_space<hbm>>
    %dma_start3A_281 = arith.constant 0 : i32
    %dma_start3A_282 = arith.constant 0 : i32
    %dma_start3A_283 = tpu.memref_slice %arg8[%dma_start3A_272, %dma_start3A_281, %dma_start3A_282] : memref<2x128x128xf32, #tpu.memory_space<vmem>> -> memref<1x128x128xf32, #tpu.memory_space<vmem>>
    %dma_start3A_284 = tpu.memref_squeeze %dma_start3A_283 : memref<1x128x128xf32, #tpu.memory_space<vmem>> -> memref<128x128xf32, #tpu.memory_space<vmem>>
    tpu.enqueue_dma source(%dma_start3A_284 : memref<128x128xf32, #tpu.memory_space<vmem>>) target(%dma_start3A_280 : memref<128x128xf32, #tpu.memory_space<hbm>>) target_semaphore(%arg12 : memref<!tpu.dma_semaphore, #tpu.memory_space<semaphore_mem>>)
    %mul3A_285 = arith.constant 10240 : i32
    %mul3A_286 = arith.muli %arg0, %mul3A_285 : i32
    %mul3A_287 = arith.constant 640 : i32
    %mul3A_288 = arith.muli %arg1, %mul3A_287 : i32
    %add3A_289 = arith.addi %mul3A_286, %mul3A_288 : i32
    %add3A_290 = arith.constant 0 : i32
    %add3A_291 = arith.addi %add3A_289, %add3A_290 : i32
    %dma_wait3A_292 = arith.constant 0 : i32
    %dma_wait3A_293 = arith.constant 0 : i32
    %dma_wait3A_294 = arith.constant 0 : i32
    %dma_wait3A_295 = tpu.memref_slice %arg8[%dma_wait3A_292, %dma_wait3A_293, %dma_wait3A_294] : memref<2x128x128xf32, #tpu.memory_space<vmem>> -> memref<1x128x128xf32, #tpu.memory_space<vmem>>
    %dma_wait3A_296 = tpu.memref_squeeze %dma_wait3A_295 : memref<1x128x128xf32, #tpu.memory_space<vmem>> -> memref<128x128xf32, #tpu.memory_space<vmem>>
    %dma_wait3A_297 = arith.constant 0 : i32
    %dma_wait3A_298 = tpu.memref_slice %arg4[%add3A_291, %dma_wait3A_297] : memref<20480x128xf32, #tpu.memory_space<hbm>> -> memref<128x128xf32, #tpu.memory_space<hbm>>
    %dma_wait3A_299 = arith.constant 0 : i32
    %dma_wait3A_300 = tpu.memref_slice %arg4[%add3A_291, %dma_wait3A_299] : memref<20480x128xf32, #tpu.memory_space<hbm>> -> memref<128x128xf32, #tpu.memory_space<hbm>>
    %dma_wait3A_301 = arith.constant 0 : i32
    %dma_wait3A_302 = arith.constant 0 : i32
    %dma_wait3A_303 = tpu.memref_slice %arg8[%dma_wait3A_292, %dma_wait3A_301, %dma_wait3A_302] : memref<2x128x128xf32, #tpu.memory_space<vmem>> -> memref<1x128x128xf32, #tpu.memory_space<vmem>>
    %dma_wait3A_304 = tpu.memref_squeeze %dma_wait3A_303 : memref<1x128x128xf32, #tpu.memory_space<vmem>> -> memref<128x128xf32, #tpu.memory_space<vmem>>
    tpu.wait_dma2 semaphore(%arg12 : memref<!tpu.dma_semaphore, #tpu.memory_space<semaphore_mem>>) src(%dma_wait3A_304 : memref<128x128xf32, #tpu.memory_space<vmem>>) dst(%dma_wait3A_300 : memref<128x128xf32, #tpu.memory_space<hbm>>)
    %mul3A_305 = arith.constant 640 : i32
    %mul3A_306 = arith.muli %arg1, %mul3A_305 : i32
    %add3A_307 = arith.constant 256 : i32
    %add3A_308 = arith.addi %mul3A_306, %add3A_307 : i32
    %run_scoped3A_309 = arith.constant 0 : i32
    "tpu.region"() ({
      %run_scoped3A_460 = tpu.sem_alloc : memref<!tpu.dma_semaphore, #tpu.memory_space<semaphore_mem>>
      %dma_start3A_461 = arith.constant 0 : i32
      %dma_start3A_462 = arith.constant 0 : i32
      %dma_start3A_463 = tpu.memref_slice %arg8[%run_scoped3A_309, %dma_start3A_461, %dma_start3A_462] : memref<2x128x128xf32, #tpu.memory_space<vmem>> -> memref<1x128x128xf32, #tpu.memory_space<vmem>>
      %dma_start3A_464 = tpu.memref_squeeze %dma_start3A_463 : memref<1x128x128xf32, #tpu.memory_space<vmem>> -> memref<128x128xf32, #tpu.memory_space<vmem>>
      %dma_start3A_465 = arith.constant 0 : i32
      %dma_start3A_466 = tpu.memref_slice %arg9[%add3A_308, %dma_start3A_465] : memref<10240x128xf32, #tpu.memory_space<vmem_shared>> -> memref<128x128xf32, #tpu.memory_space<vmem_shared>>
      %dma_start3A_467 = arith.constant 0 : i32
      %dma_start3A_468 = arith.constant 0 : i32
      %dma_start3A_469 = tpu.memref_slice %arg8[%run_scoped3A_309, %dma_start3A_467, %dma_start3A_468] : memref<2x128x128xf32, #tpu.memory_space<vmem>> -> memref<1x128x128xf32, #tpu.memory_space<vmem>>
      %dma_start3A_470 = tpu.memref_squeeze %dma_start3A_469 : memref<1x128x128xf32, #tpu.memory_space<vmem>> -> memref<128x128xf32, #tpu.memory_space<vmem>>
      %dma_start3A_471 = arith.constant 0 : i32
      %dma_start3A_472 = tpu.memref_slice %arg9[%add3A_308, %dma_start3A_471] : memref<10240x128xf32, #tpu.memory_space<vmem_shared>> -> memref<128x128xf32, #tpu.memory_space<vmem_shared>>
      tpu.enqueue_dma source(%dma_start3A_472 : memref<128x128xf32, #tpu.memory_space<vmem_shared>>) target(%dma_start3A_470 : memref<128x128xf32, #tpu.memory_space<vmem>>) target_semaphore(%run_scoped3A_460 : memref<!tpu.dma_semaphore, #tpu.memory_space<semaphore_mem>>)
      %dma_wait3A_473 = arith.constant 0 : i32
      %dma_wait3A_474 = arith.constant 0 : i32
      %dma_wait3A_475 = tpu.memref_slice %arg8[%run_scoped3A_309, %dma_wait3A_473, %dma_wait3A_474] : memref<2x128x128xf32, #tpu.memory_space<vmem>> -> memref<1x128x128xf32, #tpu.memory_space<vmem>>
      %dma_wait3A_476 = tpu.memref_squeeze %dma_wait3A_475 : memref<1x128x128xf32, #tpu.memory_space<vmem>> -> memref<128x128xf32, #tpu.memory_space<vmem>>
      %dma_wait3A_477 = arith.constant 0 : i32
      %dma_wait3A_478 = tpu.memref_slice %arg9[%add3A_308, %dma_wait3A_477] : memref<10240x128xf32, #tpu.memory_space<vmem_shared>> -> memref<128x128xf32, #tpu.memory_space<vmem_shared>>
      %dma_wait3A_479 = arith.constant 0 : i32
      %dma_wait3A_480 = arith.constant 0 : i32
      %dma_wait3A_481 = tpu.memref_slice %arg8[%run_scoped3A_309, %dma_wait3A_479, %dma_wait3A_480] : memref<2x128x128xf32, #tpu.memory_space<vmem>> -> memref<1x128x128xf32, #tpu.memory_space<vmem>>
      %dma_wait3A_482 = tpu.memref_squeeze %dma_wait3A_481 : memref<1x128x128xf32, #tpu.memory_space<vmem>> -> memref<128x128xf32, #tpu.memory_space<vmem>>
      %dma_wait3A_483 = arith.constant 0 : i32
      %dma_wait3A_484 = tpu.memref_slice %arg9[%add3A_308, %dma_wait3A_483] : memref<10240x128xf32, #tpu.memory_space<vmem_shared>> -> memref<128x128xf32, #tpu.memory_space<vmem_shared>>
      tpu.wait_dma2 semaphore(%run_scoped3A_460 : memref<!tpu.dma_semaphore, #tpu.memory_space<semaphore_mem>>) src(%dma_wait3A_484 : memref<128x128xf32, #tpu.memory_space<vmem_shared>>) dst(%dma_wait3A_482 : memref<128x128xf32, #tpu.memory_space<vmem>>)
      tpu.yield
    }) : () -> ()
    %mul3A_310 = arith.constant 10240 : i32
    %mul3A_311 = arith.muli %arg0, %mul3A_310 : i32
    %mul3A_312 = arith.constant 640 : i32
    %mul3A_313 = arith.muli %arg1, %mul3A_312 : i32
    %add3A_314 = arith.addi %mul3A_311, %mul3A_313 : i32
    %add3A_315 = arith.constant 256 : i32
    %add3A_316 = arith.addi %add3A_314, %add3A_315 : i32
    %dma_start3A_317 = arith.constant 0 : i32
    %dma_start3A_318 = arith.constant 0 : i32
    %dma_start3A_319 = arith.constant 0 : i32
    %dma_start3A_320 = tpu.memref_slice %arg8[%dma_start3A_317, %dma_start3A_318, %dma_start3A_319] : memref<2x128x128xf32, #tpu.memory_space<vmem>> -> memref<1x128x128xf32, #tpu.memory_space<vmem>>
    %dma_start3A_321 = tpu.memref_squeeze %dma_start3A_320 : memref<1x128x128xf32, #tpu.memory_space<vmem>> -> memref<128x128xf32, #tpu.memory_space<vmem>>
    %dma_start3A_322 = arith.constant 0 : i32
    %dma_start3A_323 = tpu.memref_slice %arg4[%add3A_316, %dma_start3A_322] : memref<20480x128xf32, #tpu.memory_space<hbm>> -> memref<128x128xf32, #tpu.memory_space<hbm>>
    %dma_start3A_324 = arith.constant 0 : i32
    %dma_start3A_325 = tpu.memref_slice %arg4[%add3A_316, %dma_start3A_324] : memref<20480x128xf32, #tpu.memory_space<hbm>> -> memref<128x128xf32, #tpu.memory_space<hbm>>
    %dma_start3A_326 = arith.constant 0 : i32
    %dma_start3A_327 = arith.constant 0 : i32
    %dma_start3A_328 = tpu.memref_slice %arg8[%dma_start3A_317, %dma_start3A_326, %dma_start3A_327] : memref<2x128x128xf32, #tpu.memory_space<vmem>> -> memref<1x128x128xf32, #tpu.memory_space<vmem>>
    %dma_start3A_329 = tpu.memref_squeeze %dma_start3A_328 : memref<1x128x128xf32, #tpu.memory_space<vmem>> -> memref<128x128xf32, #tpu.memory_space<vmem>>
    tpu.enqueue_dma source(%dma_start3A_329 : memref<128x128xf32, #tpu.memory_space<vmem>>) target(%dma_start3A_325 : memref<128x128xf32, #tpu.memory_space<hbm>>) target_semaphore(%arg12 : memref<!tpu.dma_semaphore, #tpu.memory_space<semaphore_mem>>)
    %mul3A_330 = arith.constant 10240 : i32
    %mul3A_331 = arith.muli %arg0, %mul3A_330 : i32
    %mul3A_332 = arith.constant 640 : i32
    %mul3A_333 = arith.muli %arg1, %mul3A_332 : i32
    %add3A_334 = arith.addi %mul3A_331, %mul3A_333 : i32
    %add3A_335 = arith.constant 128 : i32
    %add3A_336 = arith.addi %add3A_334, %add3A_335 : i32
    %dma_wait3A_337 = arith.constant 1 : i32
    %dma_wait3A_338 = arith.constant 0 : i32
    %dma_wait3A_339 = arith.constant 0 : i32
    %dma_wait3A_340 = tpu.memref_slice %arg8[%dma_wait3A_337, %dma_wait3A_338, %dma_wait3A_339] : memref<2x128x128xf32, #tpu.memory_space<vmem>> -> memref<1x128x128xf32, #tpu.memory_space<vmem>>
    %dma_wait3A_341 = tpu.memref_squeeze %dma_wait3A_340 : memref<1x128x128xf32, #tpu.memory_space<vmem>> -> memref<128x128xf32, #tpu.memory_space<vmem>>
    %dma_wait3A_342 = arith.constant 0 : i32
    %dma_wait3A_343 = tpu.memref_slice %arg4[%add3A_336, %dma_wait3A_342] : memref<20480x128xf32, #tpu.memory_space<hbm>> -> memref<128x128xf32, #tpu.memory_space<hbm>>
    %dma_wait3A_344 = arith.constant 0 : i32
    %dma_wait3A_345 = tpu.memref_slice %arg4[%add3A_336, %dma_wait3A_344] : memref<20480x128xf32, #tpu.memory_space<hbm>> -> memref<128x128xf32, #tpu.memory_space<hbm>>
    %dma_wait3A_346 = arith.constant 0 : i32
    %dma_wait3A_347 = arith.constant 0 : i32
    %dma_wait3A_348 = tpu.memref_slice %arg8[%dma_wait3A_337, %dma_wait3A_346, %dma_wait3A_347] : memref<2x128x128xf32, #tpu.memory_space<vmem>> -> memref<1x128x128xf32, #tpu.memory_space<vmem>>
    %dma_wait3A_349 = tpu.memref_squeeze %dma_wait3A_348 : memref<1x128x128xf32, #tpu.memory_space<vmem>> -> memref<128x128xf32, #tpu.memory_space<vmem>>
    tpu.wait_dma2 semaphore(%arg12 : memref<!tpu.dma_semaphore, #tpu.memory_space<semaphore_mem>>) src(%dma_wait3A_349 : memref<128x128xf32, #tpu.memory_space<vmem>>) dst(%dma_wait3A_345 : memref<128x128xf32, #tpu.memory_space<hbm>>)
    %mul3A_350 = arith.constant 640 : i32
    %mul3A_351 = arith.muli %arg1, %mul3A_350 : i32
    %add3A_352 = arith.constant 384 : i32
    %add3A_353 = arith.addi %mul3A_351, %add3A_352 : i32
    %run_scoped3A_354 = arith.constant 1 : i32
    "tpu.region"() ({
      %run_scoped3A_460 = tpu.sem_alloc : memref<!tpu.dma_semaphore, #tpu.memory_space<semaphore_mem>>
      %dma_start3A_461 = arith.constant 0 : i32
      %dma_start3A_462 = arith.constant 0 : i32
      %dma_start3A_463 = tpu.memref_slice %arg8[%run_scoped3A_354, %dma_start3A_461, %dma_start3A_462] : memref<2x128x128xf32, #tpu.memory_space<vmem>> -> memref<1x128x128xf32, #tpu.memory_space<vmem>>
      %dma_start3A_464 = tpu.memref_squeeze %dma_start3A_463 : memref<1x128x128xf32, #tpu.memory_space<vmem>> -> memref<128x128xf32, #tpu.memory_space<vmem>>
      %dma_start3A_465 = arith.constant 0 : i32
      %dma_start3A_466 = tpu.memref_slice %arg9[%add3A_353, %dma_start3A_465] : memref<10240x128xf32, #tpu.memory_space<vmem_shared>> -> memref<128x128xf32, #tpu.memory_space<vmem_shared>>
      %dma_start3A_467 = arith.constant 0 : i32
      %dma_start3A_468 = arith.constant 0 : i32
      %dma_start3A_469 = tpu.memref_slice %arg8[%run_scoped3A_354, %dma_start3A_467, %dma_start3A_468] : memref<2x128x128xf32, #tpu.memory_space<vmem>> -> memref<1x128x128xf32, #tpu.memory_space<vmem>>
      %dma_start3A_470 = tpu.memref_squeeze %dma_start3A_469 : memref<1x128x128xf32, #tpu.memory_space<vmem>> -> memref<128x128xf32, #tpu.memory_space<vmem>>
      %dma_start3A_471 = arith.constant 0 : i32
      %dma_start3A_472 = tpu.memref_slice %arg9[%add3A_353, %dma_start3A_471] : memref<10240x128xf32, #tpu.memory_space<vmem_shared>> -> memref<128x128xf32, #tpu.memory_space<vmem_shared>>
      tpu.enqueue_dma source(%dma_start3A_472 : memref<128x128xf32, #tpu.memory_space<vmem_shared>>) target(%dma_start3A_470 : memref<128x128xf32, #tpu.memory_space<vmem>>) target_semaphore(%run_scoped3A_460 : memref<!tpu.dma_semaphore, #tpu.memory_space<semaphore_mem>>)
      %dma_wait3A_473 = arith.constant 0 : i32
      %dma_wait3A_474 = arith.constant 0 : i32
      %dma_wait3A_475 = tpu.memref_slice %arg8[%run_scoped3A_354, %dma_wait3A_473, %dma_wait3A_474] : memref<2x128x128xf32, #tpu.memory_space<vmem>> -> memref<1x128x128xf32, #tpu.memory_space<vmem>>
      %dma_wait3A_476 = tpu.memref_squeeze %dma_wait3A_475 : memref<1x128x128xf32, #tpu.memory_space<vmem>> -> memref<128x128xf32, #tpu.memory_space<vmem>>
      %dma_wait3A_477 = arith.constant 0 : i32
      %dma_wait3A_478 = tpu.memref_slice %arg9[%add3A_353, %dma_wait3A_477] : memref<10240x128xf32, #tpu.memory_space<vmem_shared>> -> memref<128x128xf32, #tpu.memory_space<vmem_shared>>
      %dma_wait3A_479 = arith.constant 0 : i32
      %dma_wait3A_480 = arith.constant 0 : i32
      %dma_wait3A_481 = tpu.memref_slice %arg8[%run_scoped3A_354, %dma_wait3A_479, %dma_wait3A_480] : memref<2x128x128xf32, #tpu.memory_space<vmem>> -> memref<1x128x128xf32, #tpu.memory_space<vmem>>
      %dma_wait3A_482 = tpu.memref_squeeze %dma_wait3A_481 : memref<1x128x128xf32, #tpu.memory_space<vmem>> -> memref<128x128xf32, #tpu.memory_space<vmem>>
      %dma_wait3A_483 = arith.constant 0 : i32
      %dma_wait3A_484 = tpu.memref_slice %arg9[%add3A_353, %dma_wait3A_483] : memref<10240x128xf32, #tpu.memory_space<vmem_shared>> -> memref<128x128xf32, #tpu.memory_space<vmem_shared>>
      tpu.wait_dma2 semaphore(%run_scoped3A_460 : memref<!tpu.dma_semaphore, #tpu.memory_space<semaphore_mem>>) src(%dma_wait3A_484 : memref<128x128xf32, #tpu.memory_space<vmem_shared>>) dst(%dma_wait3A_482 : memref<128x128xf32, #tpu.memory_space<vmem>>)
      tpu.yield
    }) : () -> ()
    %mul3A_355 = arith.constant 10240 : i32
    %mul3A_356 = arith.muli %arg0, %mul3A_355 : i32
    %mul3A_357 = arith.constant 640 : i32
    %mul3A_358 = arith.muli %arg1, %mul3A_357 : i32
    %add3A_359 = arith.addi %mul3A_356, %mul3A_358 : i32
    %add3A_360 = arith.constant 384 : i32
    %add3A_361 = arith.addi %add3A_359, %add3A_360 : i32
    %dma_start3A_362 = arith.constant 1 : i32
    %dma_start3A_363 = arith.constant 0 : i32
    %dma_start3A_364 = arith.constant 0 : i32
    %dma_start3A_365 = tpu.memref_slice %arg8[%dma_start3A_362, %dma_start3A_363, %dma_start3A_364] : memref<2x128x128xf32, #tpu.memory_space<vmem>> -> memref<1x128x128xf32, #tpu.memory_space<vmem>>
    %dma_start3A_366 = tpu.memref_squeeze %dma_start3A_365 : memref<1x128x128xf32, #tpu.memory_space<vmem>> -> memref<128x128xf32, #tpu.memory_space<vmem>>
    %dma_start3A_367 = arith.constant 0 : i32
    %dma_start3A_368 = tpu.memref_slice %arg4[%add3A_361, %dma_start3A_367] : memref<20480x128xf32, #tpu.memory_space<hbm>> -> memref<128x128xf32, #tpu.memory_space<hbm>>
    %dma_start3A_369 = arith.constant 0 : i32
    %dma_start3A_370 = tpu.memref_slice %arg4[%add3A_361, %dma_start3A_369] : memref<20480x128xf32, #tpu.memory_space<hbm>> -> memref<128x128xf32, #tpu.memory_space<hbm>>
    %dma_start3A_371 = arith.constant 0 : i32
    %dma_start3A_372 = arith.constant 0 : i32
    %dma_start3A_373 = tpu.memref_slice %arg8[%dma_start3A_362, %dma_start3A_371, %dma_start3A_372] : memref<2x128x128xf32, #tpu.memory_space<vmem>> -> memref<1x128x128xf32, #tpu.memory_space<vmem>>
    %dma_start3A_374 = tpu.memref_squeeze %dma_start3A_373 : memref<1x128x128xf32, #tpu.memory_space<vmem>> -> memref<128x128xf32, #tpu.memory_space<vmem>>
    tpu.enqueue_dma source(%dma_start3A_374 : memref<128x128xf32, #tpu.memory_space<vmem>>) target(%dma_start3A_370 : memref<128x128xf32, #tpu.memory_space<hbm>>) target_semaphore(%arg12 : memref<!tpu.dma_semaphore, #tpu.memory_space<semaphore_mem>>)
    %mul3A_375 = arith.constant 10240 : i32
    %mul3A_376 = arith.muli %arg0, %mul3A_375 : i32
    %mul3A_377 = arith.constant 640 : i32
    %mul3A_378 = arith.muli %arg1, %mul3A_377 : i32
    %add3A_379 = arith.addi %mul3A_376, %mul3A_378 : i32
    %add3A_380 = arith.constant 256 : i32
    %add3A_381 = arith.addi %add3A_379, %add3A_380 : i32
    %dma_wait3A_382 = arith.constant 0 : i32
    %dma_wait3A_383 = arith.constant 0 : i32
    %dma_wait3A_384 = arith.constant 0 : i32
    %dma_wait3A_385 = tpu.memref_slice %arg8[%dma_wait3A_382, %dma_wait3A_383, %dma_wait3A_384] : memref<2x128x128xf32, #tpu.memory_space<vmem>> -> memref<1x128x128xf32, #tpu.memory_space<vmem>>
    %dma_wait3A_386 = tpu.memref_squeeze %dma_wait3A_385 : memref<1x128x128xf32, #tpu.memory_space<vmem>> -> memref<128x128xf32, #tpu.memory_space<vmem>>
    %dma_wait3A_387 = arith.constant 0 : i32
    %dma_wait3A_388 = tpu.memref_slice %arg4[%add3A_381, %dma_wait3A_387] : memref<20480x128xf32, #tpu.memory_space<hbm>> -> memref<128x128xf32, #tpu.memory_space<hbm>>
    %dma_wait3A_389 = arith.constant 0 : i32
    %dma_wait3A_390 = tpu.memref_slice %arg4[%add3A_381, %dma_wait3A_389] : memref<20480x128xf32, #tpu.memory_space<hbm>> -> memref<128x128xf32, #tpu.memory_space<hbm>>
    %dma_wait3A_391 = arith.constant 0 : i32
    %dma_wait3A_392 = arith.constant 0 : i32
    %dma_wait3A_393 = tpu.memref_slice %arg8[%dma_wait3A_382, %dma_wait3A_391, %dma_wait3A_392] : memref<2x128x128xf32, #tpu.memory_space<vmem>> -> memref<1x128x128xf32, #tpu.memory_space<vmem>>
    %dma_wait3A_394 = tpu.memref_squeeze %dma_wait3A_393 : memref<1x128x128xf32, #tpu.memory_space<vmem>> -> memref<128x128xf32, #tpu.memory_space<vmem>>
    tpu.wait_dma2 semaphore(%arg12 : memref<!tpu.dma_semaphore, #tpu.memory_space<semaphore_mem>>) src(%dma_wait3A_394 : memref<128x128xf32, #tpu.memory_space<vmem>>) dst(%dma_wait3A_390 : memref<128x128xf32, #tpu.memory_space<hbm>>)
    %mul3A_395 = arith.constant 640 : i32
    %mul3A_396 = arith.muli %arg1, %mul3A_395 : i32
    %add3A_397 = arith.constant 512 : i32
    %add3A_398 = arith.addi %mul3A_396, %add3A_397 : i32
    %run_scoped3A_399 = arith.constant 0 : i32
    "tpu.region"() ({
      %run_scoped3A_460 = tpu.sem_alloc : memref<!tpu.dma_semaphore, #tpu.memory_space<semaphore_mem>>
      %dma_start3A_461 = arith.constant 0 : i32
      %dma_start3A_462 = arith.constant 0 : i32
      %dma_start3A_463 = tpu.memref_slice %arg8[%run_scoped3A_399, %dma_start3A_461, %dma_start3A_462] : memref<2x128x128xf32, #tpu.memory_space<vmem>> -> memref<1x128x128xf32, #tpu.memory_space<vmem>>
      %dma_start3A_464 = tpu.memref_squeeze %dma_start3A_463 : memref<1x128x128xf32, #tpu.memory_space<vmem>> -> memref<128x128xf32, #tpu.memory_space<vmem>>
      %dma_start3A_465 = arith.constant 0 : i32
      %dma_start3A_466 = tpu.memref_slice %arg9[%add3A_398, %dma_start3A_465] : memref<10240x128xf32, #tpu.memory_space<vmem_shared>> -> memref<128x128xf32, #tpu.memory_space<vmem_shared>>
      %dma_start3A_467 = arith.constant 0 : i32
      %dma_start3A_468 = arith.constant 0 : i32
      %dma_start3A_469 = tpu.memref_slice %arg8[%run_scoped3A_399, %dma_start3A_467, %dma_start3A_468] : memref<2x128x128xf32, #tpu.memory_space<vmem>> -> memref<1x128x128xf32, #tpu.memory_space<vmem>>
      %dma_start3A_470 = tpu.memref_squeeze %dma_start3A_469 : memref<1x128x128xf32, #tpu.memory_space<vmem>> -> memref<128x128xf32, #tpu.memory_space<vmem>>
      %dma_start3A_471 = arith.constant 0 : i32
      %dma_start3A_472 = tpu.memref_slice %arg9[%add3A_398, %dma_start3A_471] : memref<10240x128xf32, #tpu.memory_space<vmem_shared>> -> memref<128x128xf32, #tpu.memory_space<vmem_shared>>
      tpu.enqueue_dma source(%dma_start3A_472 : memref<128x128xf32, #tpu.memory_space<vmem_shared>>) target(%dma_start3A_470 : memref<128x128xf32, #tpu.memory_space<vmem>>) target_semaphore(%run_scoped3A_460 : memref<!tpu.dma_semaphore, #tpu.memory_space<semaphore_mem>>)
      %dma_wait3A_473 = arith.constant 0 : i32
      %dma_wait3A_474 = arith.constant 0 : i32
      %dma_wait3A_475 = tpu.memref_slice %arg8[%run_scoped3A_399, %dma_wait3A_473, %dma_wait3A_474] : memref<2x128x128xf32, #tpu.memory_space<vmem>> -> memref<1x128x128xf32, #tpu.memory_space<vmem>>
      %dma_wait3A_476 = tpu.memref_squeeze %dma_wait3A_475 : memref<1x128x128xf32, #tpu.memory_space<vmem>> -> memref<128x128xf32, #tpu.memory_space<vmem>>
      %dma_wait3A_477 = arith.constant 0 : i32
      %dma_wait3A_478 = tpu.memref_slice %arg9[%add3A_398, %dma_wait3A_477] : memref<10240x128xf32, #tpu.memory_space<vmem_shared>> -> memref<128x128xf32, #tpu.memory_space<vmem_shared>>
      %dma_wait3A_479 = arith.constant 0 : i32
      %dma_wait3A_480 = arith.constant 0 : i32
      %dma_wait3A_481 = tpu.memref_slice %arg8[%run_scoped3A_399, %dma_wait3A_479, %dma_wait3A_480] : memref<2x128x128xf32, #tpu.memory_space<vmem>> -> memref<1x128x128xf32, #tpu.memory_space<vmem>>
      %dma_wait3A_482 = tpu.memref_squeeze %dma_wait3A_481 : memref<1x128x128xf32, #tpu.memory_space<vmem>> -> memref<128x128xf32, #tpu.memory_space<vmem>>
      %dma_wait3A_483 = arith.constant 0 : i32
      %dma_wait3A_484 = tpu.memref_slice %arg9[%add3A_398, %dma_wait3A_483] : memref<10240x128xf32, #tpu.memory_space<vmem_shared>> -> memref<128x128xf32, #tpu.memory_space<vmem_shared>>
      tpu.wait_dma2 semaphore(%run_scoped3A_460 : memref<!tpu.dma_semaphore, #tpu.memory_space<semaphore_mem>>) src(%dma_wait3A_484 : memref<128x128xf32, #tpu.memory_space<vmem_shared>>) dst(%dma_wait3A_482 : memref<128x128xf32, #tpu.memory_space<vmem>>)
      tpu.yield
    }) : () -> ()
    %mul3A_400 = arith.constant 10240 : i32
    %mul3A_401 = arith.muli %arg0, %mul3A_400 : i32
    %mul3A_402 = arith.constant 640 : i32
    %mul3A_403 = arith.muli %arg1, %mul3A_402 : i32
    %add3A_404 = arith.addi %mul3A_401, %mul3A_403 : i32
    %add3A_405 = arith.constant 512 : i32
    %add3A_406 = arith.addi %add3A_404, %add3A_405 : i32
    %dma_start3A_407 = arith.constant 0 : i32
    %dma_start3A_408 = arith.constant 0 : i32
    %dma_start3A_409 = arith.constant 0 : i32
    %dma_start3A_410 = tpu.memref_slice %arg8[%dma_start3A_407, %dma_start3A_408, %dma_start3A_409] : memref<2x128x128xf32, #tpu.memory_space<vmem>> -> memref<1x128x128xf32, #tpu.memory_space<vmem>>
    %dma_start3A_411 = tpu.memref_squeeze %dma_start3A_410 : memref<1x128x128xf32, #tpu.memory_space<vmem>> -> memref<128x128xf32, #tpu.memory_space<vmem>>
    %dma_start3A_412 = arith.constant 0 : i32
    %dma_start3A_413 = tpu.memref_slice %arg4[%add3A_406, %dma_start3A_412] : memref<20480x128xf32, #tpu.memory_space<hbm>> -> memref<128x128xf32, #tpu.memory_space<hbm>>
    %dma_start3A_414 = arith.constant 0 : i32
    %dma_start3A_415 = tpu.memref_slice %arg4[%add3A_406, %dma_start3A_414] : memref<20480x128xf32, #tpu.memory_space<hbm>> -> memref<128x128xf32, #tpu.memory_space<hbm>>
    %dma_start3A_416 = arith.constant 0 : i32
    %dma_start3A_417 = arith.constant 0 : i32
    %dma_start3A_418 = tpu.memref_slice %arg8[%dma_start3A_407, %dma_start3A_416, %dma_start3A_417] : memref<2x128x128xf32, #tpu.memory_space<vmem>> -> memref<1x128x128xf32, #tpu.memory_space<vmem>>
    %dma_start3A_419 = tpu.memref_squeeze %dma_start3A_418 : memref<1x128x128xf32, #tpu.memory_space<vmem>> -> memref<128x128xf32, #tpu.memory_space<vmem>>
    tpu.enqueue_dma source(%dma_start3A_419 : memref<128x128xf32, #tpu.memory_space<vmem>>) target(%dma_start3A_415 : memref<128x128xf32, #tpu.memory_space<hbm>>) target_semaphore(%arg12 : memref<!tpu.dma_semaphore, #tpu.memory_space<semaphore_mem>>)
    %mul3A_420 = arith.constant 10240 : i32
    %mul3A_421 = arith.muli %arg0, %mul3A_420 : i32
    %mul3A_422 = arith.constant 640 : i32
    %mul3A_423 = arith.muli %arg1, %mul3A_422 : i32
    %add3A_424 = arith.addi %mul3A_421, %mul3A_423 : i32
    %add3A_425 = arith.constant 384 : i32
    %add3A_426 = arith.addi %add3A_424, %add3A_425 : i32
    %dma_wait3A_427 = arith.constant 1 : i32
    %dma_wait3A_428 = arith.constant 0 : i32
    %dma_wait3A_429 = arith.constant 0 : i32
    %dma_wait3A_430 = tpu.memref_slice %arg8[%dma_wait3A_427, %dma_wait3A_428, %dma_wait3A_429] : memref<2x128x128xf32, #tpu.memory_space<vmem>> -> memref<1x128x128xf32, #tpu.memory_space<vmem>>
    %dma_wait3A_431 = tpu.memref_squeeze %dma_wait3A_430 : memref<1x128x128xf32, #tpu.memory_space<vmem>> -> memref<128x128xf32, #tpu.memory_space<vmem>>
    %dma_wait3A_432 = arith.constant 0 : i32
    %dma_wait3A_433 = tpu.memref_slice %arg4[%add3A_426, %dma_wait3A_432] : memref<20480x128xf32, #tpu.memory_space<hbm>> -> memref<128x128xf32, #tpu.memory_space<hbm>>
    %dma_wait3A_434 = arith.constant 0 : i32
    %dma_wait3A_435 = tpu.memref_slice %arg4[%add3A_426, %dma_wait3A_434] : memref<20480x128xf32, #tpu.memory_space<hbm>> -> memref<128x128xf32, #tpu.memory_space<hbm>>
    %dma_wait3A_436 = arith.constant 0 : i32
    %dma_wait3A_437 = arith.constant 0 : i32
    %dma_wait3A_438 = tpu.memref_slice %arg8[%dma_wait3A_427, %dma_wait3A_436, %dma_wait3A_437] : memref<2x128x128xf32, #tpu.memory_space<vmem>> -> memref<1x128x128xf32, #tpu.memory_space<vmem>>
    %dma_wait3A_439 = tpu.memref_squeeze %dma_wait3A_438 : memref<1x128x128xf32, #tpu.memory_space<vmem>> -> memref<128x128xf32, #tpu.memory_space<vmem>>
    tpu.wait_dma2 semaphore(%arg12 : memref<!tpu.dma_semaphore, #tpu.memory_space<semaphore_mem>>) src(%dma_wait3A_439 : memref<128x128xf32, #tpu.memory_space<vmem>>) dst(%dma_wait3A_435 : memref<128x128xf32, #tpu.memory_space<hbm>>)
    %mul3A_440 = arith.constant 10240 : i32
    %mul3A_441 = arith.muli %arg0, %mul3A_440 : i32
    %mul3A_442 = arith.constant 640 : i32
    %mul3A_443 = arith.muli %arg1, %mul3A_442 : i32
    %add3A_444 = arith.addi %mul3A_441, %mul3A_443 : i32
    %add3A_445 = arith.constant 512 : i32
    %add3A_446 = arith.addi %add3A_444, %add3A_445 : i32
    %dma_wait3A_447 = arith.constant 0 : i32
    %dma_wait3A_448 = arith.constant 0 : i32
    %dma_wait3A_449 = arith.constant 0 : i32
    %dma_wait3A_450 = tpu.memref_slice %arg8[%dma_wait3A_447, %dma_wait3A_448, %dma_wait3A_449] : memref<2x128x128xf32, #tpu.memory_space<vmem>> -> memref<1x128x128xf32, #tpu.memory_space<vmem>>
    %dma_wait3A_451 = tpu.memref_squeeze %dma_wait3A_450 : memref<1x128x128xf32, #tpu.memory_space<vmem>> -> memref<128x128xf32, #tpu.memory_space<vmem>>
    %dma_wait3A_452 = arith.constant 0 : i32
    %dma_wait3A_453 = tpu.memref_slice %arg4[%add3A_446, %dma_wait3A_452] : memref<20480x128xf32, #tpu.memory_space<hbm>> -> memref<128x128xf32, #tpu.memory_space<hbm>>
    %dma_wait3A_454 = arith.constant 0 : i32
    %dma_wait3A_455 = tpu.memref_slice %arg4[%add3A_446, %dma_wait3A_454] : memref<20480x128xf32, #tpu.memory_space<hbm>> -> memref<128x128xf32, #tpu.memory_space<hbm>>
    %dma_wait3A_456 = arith.constant 0 : i32
    %dma_wait3A_457 = arith.constant 0 : i32
    %dma_wait3A_458 = tpu.memref_slice %arg8[%dma_wait3A_447, %dma_wait3A_456, %dma_wait3A_457] : memref<2x128x128xf32, #tpu.memory_space<vmem>> -> memref<1x128x128xf32, #tpu.memory_space<vmem>>
    %dma_wait3A_459 = tpu.memref_squeeze %dma_wait3A_458 : memref<1x128x128xf32, #tpu.memory_space<vmem>> -> memref<128x128xf32, #tpu.memory_space<vmem>>
    tpu.wait_dma2 semaphore(%arg12 : memref<!tpu.dma_semaphore, #tpu.memory_space<semaphore_mem>>) src(%dma_wait3A_459 : memref<128x128xf32, #tpu.memory_space<vmem>>) dst(%dma_wait3A_455 : memref<128x128xf32, #tpu.memory_space<hbm>>)
    return
  }
}

module attributes {stable_mosaic.version = 14 : i64} {
  func.func @body(%arg0: i32, %arg1: memref<2048x128xf32, #tpu.memory_space<vmem>>, %arg2: memref<20480xf32, #tpu.memory_space<vmem>>, %arg3: memref<2048x128xf32, #tpu.memory_space<vmem>>) attributes {dimension_semantics = [#tpu.dimension_semantics<arbitrary>], iteration_bounds = array<i64: 5>, scalar_prefetch = 0 : i64, scratch_operands = 0 : i64, tpu.core_type = #tpu.core_type<tc>, window_params = [{transform_indices = @transform_0, window_bounds = array<i64: 2048, 128>}, {pipeline_mode = #tpu.pipeline_mode<synchronous>, transform_indices = @transform_1, window_bounds = array<i64: 20480>}, {transform_indices = @transform_2, window_bounds = array<i64: 2048, 128>}]} {
    %mul3A = arith.constant 2048 : i32
    %mul3A_0 = arith.muli %arg0, %mul3A : i32
    %multiple_of3A = tpu.assume_multiple %mul3A_0, 128 : i32
    %get3A = arith.index_cast %multiple_of3A : i32 to index
    %get3A_1 = vector.load %arg2[%get3A] : memref<20480xf32, #tpu.memory_space<vmem>>, vector<2048xf32>
    %add3A = arith.constant 10240 : i32
    %add3A_2 = arith.addi %add3A, %multiple_of3A : i32
    %get3A_3 = arith.index_cast %add3A_2 : i32 to index
    %get3A_4 = vector.load %arg2[%get3A_3] : memref<20480xf32, #tpu.memory_space<vmem>>, vector<2048xf32>
    %add3A_5 = arith.addf %get3A_1, %get3A_4 : vector<2048xf32>
    %add3A_6 = arith.constant 1.000000e+00 : f32
    %add3A_7 = vector.broadcast %add3A_6 : f32 to vector<2048xf32>
    %add3A_8 = arith.addf %add3A_5, %add3A_7 : vector<2048xf32>
    %get3A_9 = arith.constant 0 : index
    %get3A_10 = arith.constant 0 : index
    %get3A_11 = vector.load %arg1[%get3A_9, %get3A_10] : memref<2048x128xf32, #tpu.memory_space<vmem>>, vector<2048x128xf32>
    %rsqrt3A = math.rsqrt %add3A_8 : vector<2048xf32>
    %broadcast_in_dim3A = vector.shape_cast %rsqrt3A : vector<2048xf32> to vector<2048x1xf32>
    %mul3A_12 = vector.broadcast %broadcast_in_dim3A : vector<2048x1xf32> to vector<2048x128xf32>
    %mul3A_13 = arith.mulf %get3A_11, %mul3A_12 : vector<2048x128xf32>
    %swap3A = arith.constant 0 : index
    %swap3A_14 = arith.constant 0 : index
    %swap3A_15 = vector.load %arg3[%swap3A, %swap3A_14] : memref<2048x128xf32, #tpu.memory_space<vmem>>, vector<2048x128xf32>
    tpu.vector_store %arg3[%swap3A, %swap3A_14], %mul3A_13 {strides = array<i32>} : memref<2048x128xf32, #tpu.memory_space<vmem>>, vector<2048x128xf32>,
    return
  }
  func.func @transform_0(%arg0: i32) -> (i32, i32) {
    %c0_i32 = arith.constant 0 : i32
    %c0_i32_0 = arith.constant 0 : i32
    return %arg0, %c0_i32 : i32, i32
  }
  func.func @transform_1(%arg0: i32) -> i32 {
    %c0_i32 = arith.constant 0 : i32
    %c0_i32_0 = arith.constant 0 : i32
    return %c0_i32 : i32
  }
  func.func @transform_2(%arg0: i32) -> (i32, i32) {
    %c0_i32 = arith.constant 0 : i32
    %c0_i32_0 = arith.constant 0 : i32
    return %arg0, %c0_i32 : i32, i32
  }
}

module attributes {stable_mosaic.version = 14 : i64} {
  func.func @body(%arg0: i32, %arg1: memref<2048x128xf32, #tpu.memory_space<vmem>>, %arg2: memref<2048x128xf32, #tpu.memory_space<vmem>>, %arg3: memref<2048x128xf32, #tpu.memory_space<vmem>>, %arg4: memref<20480xf32, #tpu.memory_space<vmem>>, %arg5: memref<2048x128xf32, #tpu.memory_space<vmem>>) attributes {dimension_semantics = [#tpu.dimension_semantics<arbitrary>], iteration_bounds = array<i64: 5>, scalar_prefetch = 0 : i64, scratch_operands = 0 : i64, tpu.core_type = #tpu.core_type<tc>, window_params = [{transform_indices = @transform_0, window_bounds = array<i64: 2048, 128>}, {transform_indices = @transform_1, window_bounds = array<i64: 2048, 128>}, {transform_indices = @transform_2, window_bounds = array<i64: 2048, 128>}, {pipeline_mode = #tpu.pipeline_mode<synchronous>, transform_indices = @transform_3, window_bounds = array<i64: 20480>}, {transform_indices = @transform_4, window_bounds = array<i64: 2048, 128>}]} {
    %get3A = arith.constant 0 : index
    %get3A_0 = arith.constant 0 : index
    %get3A_1 = vector.load %arg1[%get3A, %get3A_0] : memref<2048x128xf32, #tpu.memory_space<vmem>>, vector<2048x128xf32>
    %get3A_2 = arith.constant 0 : index
    %get3A_3 = arith.constant 0 : index
    %get3A_4 = vector.load %arg2[%get3A_2, %get3A_3] : memref<2048x128xf32, #tpu.memory_space<vmem>>, vector<2048x128xf32>
    %add3A = arith.addf %get3A_1, %get3A_4 : vector<2048x128xf32>
    %get3A_5 = arith.constant 0 : index
    %get3A_6 = arith.constant 0 : index
    %get3A_7 = vector.load %arg3[%get3A_5, %get3A_6] : memref<2048x128xf32, #tpu.memory_space<vmem>>, vector<2048x128xf32>
    %add3A_8 = arith.addf %add3A, %get3A_7 : vector<2048x128xf32>
    %mul3A = arith.constant 2048 : i32
    %mul3A_9 = arith.muli %arg0, %mul3A : i32
    %multiple_of3A = tpu.assume_multiple %mul3A_9, 128 : i32
    %get3A_10 = arith.index_cast %multiple_of3A : i32 to index
    %get3A_11 = vector.load %arg4[%get3A_10] : memref<20480xf32, #tpu.memory_space<vmem>>, vector<2048xf32>
    %add3A_12 = arith.constant 10240 : i32
    %add3A_13 = arith.addi %add3A_12, %multiple_of3A : i32
    %get3A_14 = arith.index_cast %add3A_13 : i32 to index
    %get3A_15 = vector.load %arg4[%get3A_14] : memref<20480xf32, #tpu.memory_space<vmem>>, vector<2048xf32>
    %add3A_16 = arith.addf %get3A_11, %get3A_15 : vector<2048xf32>
    %add3A_17 = arith.constant 1.000000e+00 : f32
    %add3A_18 = vector.broadcast %add3A_17 : f32 to vector<2048xf32>
    %add3A_19 = arith.addf %add3A_16, %add3A_18 : vector<2048xf32>
    %rsqrt3A = math.rsqrt %add3A_19 : vector<2048xf32>
    %broadcast_in_dim3A = vector.shape_cast %rsqrt3A : vector<2048xf32> to vector<2048x1xf32>
    %mul3A_20 = vector.broadcast %broadcast_in_dim3A : vector<2048x1xf32> to vector<2048x128xf32>
    %mul3A_21 = arith.mulf %add3A_8, %mul3A_20 : vector<2048x128xf32>
    %max3A = arith.constant 0.000000e+00 : f32
    %max3A_22 = vector.broadcast %max3A : f32 to vector<2048x128xf32>
    %max3A_23 = arith.maximumf %mul3A_21, %max3A_22 : vector<2048x128xf32>
    %swap3A = arith.constant 0 : index
    %swap3A_24 = arith.constant 0 : index
    %swap3A_25 = vector.load %arg5[%swap3A, %swap3A_24] : memref<2048x128xf32, #tpu.memory_space<vmem>>, vector<2048x128xf32>
    tpu.vector_store %arg5[%swap3A, %swap3A_24], %max3A_23 {strides = array<i32>} : memref<2048x128xf32, #tpu.memory_space<vmem>>, vector<2048x128xf32>,
    return
  }
  func.func @transform_0(%arg0: i32) -> (i32, i32) {
    %c0_i32 = arith.constant 0 : i32
    %c0_i32_0 = arith.constant 0 : i32
    return %arg0, %c0_i32 : i32, i32
  }
  func.func @transform_1(%arg0: i32) -> (i32, i32) {
    %add3A = arith.constant 5 : i32
    %add3A_0 = arith.addi %arg0, %add3A : i32
    %c0_i32 = arith.constant 0 : i32
    %c0_i32_1 = arith.constant 0 : i32
    return %add3A_0, %c0_i32 : i32, i32
  }
  func.func @transform_2(%arg0: i32) -> (i32, i32) {
    %c0_i32 = arith.constant 0 : i32
    %c0_i32_0 = arith.constant 0 : i32
    return %arg0, %c0_i32 : i32, i32
  }
  func.func @transform_3(%arg0: i32) -> i32 {
    %c0_i32 = arith.constant 0 : i32
    %c0_i32_0 = arith.constant 0 : i32
    return %c0_i32 : i32
  }
  func.func @transform_4(%arg0: i32) -> (i32, i32) {
    %c0_i32 = arith.constant 0 : i32
    %c0_i32_0 = arith.constant 0 : i32
    return %arg0, %c0_i32 : i32, i32
  }
}

module attributes {stable_mosaic.version = 14 : i64} {
  func.func @body(%arg0: i32, %arg1: memref<2048x128xf32, #tpu.memory_space<vmem>>, %arg2: memref<128x128xf32, #tpu.memory_space<vmem>>, %arg3: memref<1x128xf32, #tpu.memory_space<vmem>>, %arg4: memref<2048x128xf32, #tpu.memory_space<vmem>>) attributes {dimension_semantics = [#tpu.dimension_semantics<arbitrary>], iteration_bounds = array<i64: 5>, scalar_prefetch = 0 : i64, scratch_operands = 0 : i64, tpu.core_type = #tpu.core_type<tc>, window_params = [{transform_indices = @transform_0, window_bounds = array<i64: 2048, 128>}, {pipeline_mode = #tpu.pipeline_mode<synchronous>, transform_indices = @transform_1, window_bounds = array<i64: 128, 128>}, {pipeline_mode = #tpu.pipeline_mode<synchronous>, transform_indices = @transform_2, window_bounds = array<i64: 1, 128>}, {transform_indices = @transform_3, window_bounds = array<i64: 2048, 128>}]} {
    %get3A = arith.constant 0 : index
    %get3A_0 = arith.constant 0 : index
    %get3A_1 = vector.load %arg1[%get3A, %get3A_0] : memref<2048x128xf32, #tpu.memory_space<vmem>>, vector<2048x128xf32>
    %get3A_2 = arith.constant 0 : index
    %get3A_3 = arith.constant 0 : index
    %get3A_4 = vector.load %arg2[%get3A_2, %get3A_3] : memref<128x128xf32, #tpu.memory_space<vmem>>, vector<128x128xf32>
    %dot_general3A = arith.constant dense<0.000000e+00> : vector<2048x128xf32>
    %dot_general3A_5 = tpu.matmul %get3A_1, %get3A_4, %dot_general3A {dimension_numbers = #tpu.dot_dimension_numbers<[1], [1], [0], [0], [0, 0, 1, 0], [], []>, transpose_lhs_hint = false} : vector<2048x128xf32>, vector<128x128xf32>, vector<2048x128xf32> -> vector<2048x128xf32>
    %get3A_6 = arith.constant 0 : index
    %get3A_7 = arith.constant 0 : index
    %get3A_8 = vector.load %arg3[%get3A_6, %get3A_7] : memref<1x128xf32, #tpu.memory_space<vmem>>, vector<1x128xf32>
    %add3A = vector.broadcast %get3A_8 : vector<1x128xf32> to vector<2048x128xf32>
    %add3A_9 = arith.addf %dot_general3A_5, %add3A : vector<2048x128xf32>
    %swap3A = arith.constant 0 : index
    %swap3A_10 = arith.constant 0 : index
    %swap3A_11 = vector.load %arg4[%swap3A, %swap3A_10] : memref<2048x128xf32, #tpu.memory_space<vmem>>, vector<2048x128xf32>
    tpu.vector_store %arg4[%swap3A, %swap3A_10], %add3A_9 {strides = array<i32>} : memref<2048x128xf32, #tpu.memory_space<vmem>>, vector<2048x128xf32>,
    return
  }
  func.func @transform_0(%arg0: i32) -> (i32, i32) {
    %c0_i32 = arith.constant 0 : i32
    %c0_i32_0 = arith.constant 0 : i32
    return %arg0, %c0_i32 : i32, i32
  }
  func.func @transform_1(%arg0: i32) -> (i32, i32) {
    %c0_i32 = arith.constant 0 : i32
    %c0_i32_0 = arith.constant 0 : i32
    %c0_i32_1 = arith.constant 0 : i32
    return %c0_i32, %c0_i32_0 : i32, i32
  }
  func.func @transform_2(%arg0: i32) -> (i32, i32) {
    %c0_i32 = arith.constant 0 : i32
    %c0_i32_0 = arith.constant 0 : i32
    %c0_i32_1 = arith.constant 0 : i32
    return %c0_i32, %c0_i32_0 : i32, i32
  }
  func.func @transform_3(%arg0: i32) -> (i32, i32) {
    %c0_i32 = arith.constant 0 : i32
    %c0_i32_0 = arith.constant 0 : i32
    return %arg0, %c0_i32 : i32, i32
  }
}

</mosaic_0001>

<sc_bundles>
// kernel: kernel.10.cloned.1.call-start
scs
__scs_entry_jumppad:
0x0: {  	(pc) =	sbr.rel $0x88, $3  }
0x1: {  	(tag) =	ssettag $0x0;
	lr =	simm.s32 $0x1  }
0x2: {  	[smem:$0x3F9D] =	sst lr;
	_ =	strace $0xD0000000  }
0x3: {  	_ = 	snop  }
0x4: {  	_ = 	snop  }
0x5: {  	_ = 	snop  }
0x6: {  	_ = 	snop  }
0x7: {  	_ = 	snop  }
__scs_overlays_trampoline_lowered:
0x8: {  	[smem:$0x3FAC] =	sst s0  }
0x9: {  	[smem:$0x3FAD] =	sst s1  }
0xa: {  	[smem:$0x3FAE] =	sst s2  }
0xb: {  	[smem:$0x3FAF] =	sst s3  }
0xc: {  	[smem:$0x3FB0] =	sst s4  }
0xd: {  	[smem:$0x3FB1] =	sst s5  }
0xe: {  	[smem:$0x3FB2] =	sst s6  }
0xf: {  	[smem:$0x3FB3] =	sst s7  }
0x10: {  	[smem:$0x3FB4] =	sst s8  }
0x11: {  	[smem:$0x3FB5] =	sst s9;
	s0 =	simm.s32 @!p0 $0x0  }
0x12: {  	s1 =	sld [smem:$0x3F9B];
	s0 =	simm.s32 @p0 $0x1  }
0x13: {  	[smem:$0x3FB6] =	sst s0;
	s0 =	simm.s32 @!p1 $0x0  }
0x14: {  	s2 =	sld [smem:$0x3F9A];
	s0 =	simm.s32 @p1 $0x1  }
0x15: {  	[smem:$0x3FB7] =	sst s0;
	s0 =	simm.s32 @!p2 $0x0  }
0x16: {  	s3 =	sld [smem:$0x3FDB];
	s0 =	simm.s32 @p2 $0x1  }
0x17: {  	s4 =	simm.s32 $0x1BF5;
	[smem:$0x3FB9] =	sst s0  }
0x18: {  	s0 =	sld [smem:$0x3F9C];
	_ =	swait.ge [sflag:s4], $0x0  }
0x19: {  	s7 =	sld [smem:$0x3F9D]  }
0x1a: {  	s8 =	sadd.s32 $0xFFFFE003, lr  }
0x1b: {  	s9 =	sadd.s32 $0xFFFFFEF7, lr;
	s5 =	simm.s32 $0xFFFFFFFF;
	p2 =	slt.u32 s8, $0xFFFFF086  }
0x1c: {  	p1 =	slt.u32 s9, $0xF7A;
	s5 =	simm.s32 @!p2 $0x0  }
0x1d: {  	s5 =	simm.s32 @p1 $0x1;
	p0 =	seq.s32 s7, s2  }
0x1e: {  	s7 =	smul.u32 @!p0 $0xF7A, s2;
	p2 =	seq.s32 @!p0 s5, $0x0  }
0x1f: {  	s9 =	smul.u32 $0xF7A, s1;
	s8 =	simm.s32 @!p0 $0x1BF5;
	p2 =	por !p2, p0  }
0x20: {  	[sflag:s8] =	ssyncset.s32 @!p0 $0xFFFFF086;
	s6 =	sadd.s32 @!p0 s3, s7;
	s7 =	simm.s32 @!p0 $0x108  }
0x21: {  	s3 =	sadd.s32 s3, s9;
	s6 =	sadd.s32 @!p0 $0x88, s6;
	s7 =	simm.s32 @p2 $0x1082  }
0x22: {  	[simem:s7], [sflag:s8] =	dma.local @!p0 [hbm:s6], $0xF7A  }
0x23: {  	s9 =	sor.u32 $0xD0000000, s2;
	s6 =	simm.s32 $0x108;
	_ =	swait.ge @!p0 [sflag:s8], $0x0  }
0x24: {  	s3 =	sadd.s32 $0x88, s3;
	s6 =	simm.s32 @!p1 $0x1082;
	[sflag:s4] =	ssyncset.s32 $0xFFFFF086  }
0x25: {  	[simem:s6], [sflag:s4] =	dma.local [hbm:s3], $0xF7A  }
0x26: {  	[smem:$0x3F9D] =	sst s1;
	(tag) =	ssettag s2;
	_ =	strace s9  }
0x27: {  	s1 =	sld [smem:$0x3FAD]  }
0x28: {  	s2 =	sld [smem:$0x3FAE]  }
0x29: {  	s4 =	sld [smem:$0x3FB0]  }
0x2a: {  	p0 =	seq.s32 s5, $0x0;
	s5 =	sld [smem:$0x3FB1]  }
0x2b: {  	s6 =	sld [smem:$0x3FB2]  }
0x2c: {  	s7 =	sld [smem:$0x3FB3]  }
0x2d: {  	s3 =	simm.s32 $0x108;
	s8 =	sld [smem:$0x3FB4]  }
0x2e: {  	s3 =	simm.s32 @!p0 $0x1082;
	s9 =	sld [smem:$0x3FB5]  }
0x2f: {  	lr =	sadd.s32 s0, s3;
	s0 =	sld [smem:$0x3FAC]  }
0x30: {  	s3 =	sld [smem:$0x3FAF]  }
0x31: {  	[smem:$0x3FB8] =	sst s10  }
0x32: {  	s10 =	sld [smem:$0x3FB6];
	_ =	sdelay $0x3  }
0x33: {  	p0 =	seq.s32 s10, $0x1;
	s10 =	sld [smem:$0x3FB8];
	_ =	sdelay $0x3  }
0x34: {  	[smem:$0x3FB8] =	sst s10  }
0x35: {  	s10 =	sld [smem:$0x3FB7];
	_ =	sdelay $0x3  }
0x36: {  	p1 =	seq.s32 s10, $0x1;
	s10 =	sld [smem:$0x3FB8];
	_ =	sdelay $0x3  }
0x37: {  	[smem:$0x3FB8] =	sst s10  }
0x38: {  	s10 =	sld [smem:$0x3FB9]  }
0x39: {  	_ = 	snop;
	(pc) =	sbr.ind lr, $3  }
0x3a: {  	_ = 	snop  }
0x3b: {  	_ = 	snop  }
0x3c: {  	p2 =	seq.s32 s10, $0x1;
	s10 =	sld [smem:$0x3FB8]  }
0x3d: {  	_ =	shalt  }
0x3e: {  	_ =	shalt  }
0x3f: {  	_ =	shalt  }
0x40: {  	_ =	shalt  }
0x41: {  	_ =	shalt  }
0x42: {  	_ =	shalt  }
0x43: {  	_ =	shalt  }
0x44: {  	_ =	shalt  }
0x45: {  	_ =	shalt  }
0x46: {  	_ =	shalt  }
0x47: {  	_ =	shalt  }
0x48: {  	_ =	shalt  }
0x49: {  	_ =	shalt  }
0x4a: {  	_ =	shalt  }
0x4b: {  	_ =	shalt  }
0x4c: {  	_ =	shalt  }
0x4d: {  	_ =	shalt  }
0x4e: {  	_ =	shalt  }
0x4f: {  	_ =	shalt  }
0x50: {  	_ =	shalt  }
0x51: {  	_ =	shalt  }
0x52: {  	_ =	shalt  }
0x53: {  	_ =	shalt  }
0x54: {  	_ =	shalt  }
0x55: {  	_ =	shalt  }
0x56: {  	_ =	shalt  }
0x57: {  	_ =	shalt  }
0x58: {  	_ =	shalt  }
0x59: {  	_ =	shalt  }
0x5a: {  	_ =	shalt  }
0x5b: {  	_ =	shalt  }
0x5c: {  	_ =	shalt  }
0x5d: {  	_ =	shalt  }
0x5e: {  	_ =	shalt  }
0x5f: {  	_ =	shalt  }
0x60: {  	_ =	shalt  }
0x61: {  	_ =	shalt  }
0x62: {  	_ =	shalt  }
0x63: {  	_ =	shalt  }
0x64: {  	_ =	shalt  }
0x65: {  	_ =	shalt  }
0x66: {  	_ =	shalt  }
0x67: {  	_ =	shalt  }
0x68: {  	_ =	shalt  }
0x69: {  	_ =	shalt  }
0x6a: {  	_ =	shalt  }
0x6b: {  	_ =	shalt  }
0x6c: {  	_ =	shalt  }
0x6d: {  	_ =	shalt  }
0x6e: {  	_ =	shalt  }
0x6f: {  	_ =	shalt  }
0x70: {  	_ =	shalt  }
0x71: {  	_ =	shalt  }
0x72: {  	_ =	shalt  }
0x73: {  	_ =	shalt  }
0x74: {  	_ =	shalt  }
0x75: {  	_ =	shalt  }
0x76: {  	_ =	shalt  }
0x77: {  	_ =	shalt  }
0x78: {  	_ =	shalt  }
0x79: {  	_ =	shalt  }
0x7a: {  	_ =	shalt  }
0x7b: {  	_ =	shalt  }
0x7c: {  	_ =	shalt  }
0x7d: {  	_ =	shalt  }
0x7e: {  	_ =	shalt  }
0x7f: {  	_ =	shalt  }
0x80: {  	_ =	shalt  }
0x81: {  	_ =	shalt  }
0x82: {  	_ =	shalt  }
0x83: {  	_ =	shalt  }
0x84: {  	_ =	shalt  }
0x85: {  	_ =	shalt  }
0x86: {  	_ =	shalt  }
0x87: {  	_ =	shalt  }
.Lfunc_end0:
.L_simem_size_0:
called_computation.1_lowered:
.L_overlay_start_0:
0x88: {  	s2 =	sld [smem:$0x3FD9]  }
0x89: {  	s3 =	sld [smem:$0x3FFE];
	_ =	sdelay $0x1  }
0x8a: {  	s1 =	srdreg.scid  }
0x8b: {  	s0 =	sand.u32 $0x1, s1  }
0x8c: {  	s17 =	sshll.u32 s0, $0xA;
	s2 =	sadd.s32 s3, s2  }
0x8d: {  	s2 =	sadd.s32 s2, s17  }
0x8e: {  	[smem:$0x3FC4] =	sst s2  }
0x8f: {  	_ = 	snop  }
0x90: {  	s2 =	sld [smem:$0x3FD0];
	(tm) =	ssettm $0x1  }
0x91: {  	s18 =	sld [smem:$0x3FFB];
	_ =	sdelay $0x3  }
0x92: {  	_ =	strace s18  }
0x93: {  	s3 =	sld [smem:$0x3FFC];
	_ =	sdelay $0x3  }
0x94: {  	_ =	strace s3  }
0x95: {  	s3 =	sld [smem:$0x3FFD];
	_ =	sdelay $0x3  }
0x96: {  	_ =	strace s3  }
0x97: {  	_ =	strace $0x8FFFFFFF  }
0x98: {  	s19 =	sld [smem:$0x3FDB];
	_ =	sdelay $0x1  }
0x99: {  	s4 =	simm.s32 $_scs_section_size  }
0x9a: {  	s5 =	simm.s32 $_size__tile_overlayer_lowered;
	s6 =	simm.s32 $_tile_overlayer_lowered  }
0x9b: {  	s22 =	simm.s32 $0x1BFF;
	s21 =	sshll.u32 s6, $0x1;
	s3 =	sadd.s32 s4, s19  }
0x9c: {  	s7 =	simm.s32 $0x0;
	s20 =	sshll.u32 s5, $0x1;
	s5 =	sadd.s32 s21, s3  }
0x9d: {  	[timem:s7], [sflag:s22] =	dma.local [hbm:s5], s20  }
0x9e: {  	_ =	swait.ge [sflag:s22], s20  }
0x9f: {  	s4 =	ssub.s32 $0x0, s20;
	[sflag:s22] =	ssyncset.done $0x0  }
0xa0: {  	[sflag:s22] =	ssyncadd.s32 s4;
	_ =	sdelay $0x1  }
0xa1: {  	s23 =	simm.s32 $0x1B8B  }
0xa2: {  	_ =	swait.ge [sflag:s23], $0x1  }
0xa3: {  	[sflag:s23] =	ssyncset.done $0x0  }
0xa4: {  	s25 =	simm.s32 $0x1B8E;
	s24 =	sld [smem:$0x3FFE];
	[sflag:s23] =	ssyncadd.s32 $0xFFFFFFFF  }
0xa5: {  	s26 =	simm.s32 $execute0_lowered;
	[smem:$0x3FD2] =	sst s25  }
0xa6: {  	s5 =	sshll.u32 s26, $0x1;
	_ =	strace $0x80000049;
	[dreg:$0x1] =	wrdreg $0xFFFFFFFF  }
0xa7: {  	s28 =	simm.s32 $_size_execute0_lowered;
	s3 =	sadd.s32 s3, s5;
	[dreg:$0x0] =	wrdreg $0x0  }
0xa8: {  	s5 =	sshll.u32 s28, $0x1;
	[dreg:$0x2] =	wrdreg s3  }
0xa9: {  	[dreg:$0x3] =	wrdreg s5  }
0xaa: {  	[dreg:$0x4] =	wrdreg $0xC0  }
0xab: {  	_ =	task [dreg:s7], $0x5FFFF  }
0xac: {  	[dreg:$0x1] =	wrdreg $0xFFFFFFFF  }
0xad: {  	[dreg:$0x0] =	wrdreg $0x60  }
0xae: {  	[dreg:$0x2] =	wrdreg s2  }
0xaf: {  	[dreg:$0x3] =	wrdreg s24  }
0xb0: {  	[dreg:$0x4] =	wrdreg $0xA8800  }
0xb1: {  	[dreg:$0x5] =	wrdreg $0x9  }
0xb2: {  	_ =	task.clear_ibuf [dreg:s7], $0x6FFFF;
	_ =	strace $0x90000049  }
0xb3: {  	s29 =	simm.s32 $0x9;
	_ =	strace $0x8000004B  }
0xb4: {  	_ =	swait.ge [sflag:s29], $0x1  }
0xb5: {  	[sflag:s29] =	ssyncadd.s32 $0xFFFFFFFF  }
0xb6: {  	_ =	strace $0x9000004B  }
0xb7: {  	_ =	sfence  }
0xb8: {  	s30 =	sld [smem:$0x0];
	_ =	sdelay $0x2  }
0xb9: {  	s31 =	sshll.u32 s1, $0xD;
	s1 =	sshrl.u32 s1, $0x2  }
0xba: {  	s3 =	sand.u32 $0x4000, s31;
	s1 =	sadd.s32 s1, s30  }
0xbb: {  	s0 =	sor.u32 s3, s0;
	s1 =	sshll.u32 s1, $0x11  }
0xbc: {  	s0 =	sor.u32 s1, s0  }
0xbd: {  	s0 =	sadd.s32 $0x8F2B, s0  }
0xbe: {  	[sflag:s0] =	ssyncadd.remote.s32 $0x1  }
0xbf: {  	_ =	sfence.sel $0xFFFF  }
0xc0: {  	[dreg:$0x0] =	wrdreg $0xFFFFFFFF;
	(pc) =	sbr.abs _section_cstart, $3  }
0xc1: {  	[dreg:$0x1] =	wrdreg $0xFFFFFFFF  }
0xc2: {  	_ =	task.clear_ibuf [dreg:s7], $0x2FFFF;
	_ =	strace $0x9FFFFFFF  }
0xc3: {  	(tm) =	ssettm $0x7FFFFFFF  }
tec
execute0_lowered:
.L_overlay_start_1:
0x0: {  	(tag) =	ssettag $0x1  }
0x1: {  	s1 =	rddreg [dreg:$0x0]  }
0x2: {  	s0 =	rddreg [dreg:$0x1]  }
0x3: {  	s3 =	rddreg [dreg:$0x2]  }
0x4: {  	s2 =	srdreg.scid;
	s13 =	stileid.u32  }
0x5: {  	s4 =	simm.s32 $0x0;
	s28 =	simm.s32 $0x80;
	s29 =	simm.s32 $0x1  }
0x6: {  	s30 =	simm.s32 $0x2;
	s31 =	simm.s32 $0x6880;
	s5 =	smul.u32 $0x280, s13  }
0x7: {  	s2 =	sand.u32 $0x1, s2;
	[smem:$0x7FF] =	sst s4;
	s7 =	smul.u32 $0x50000, s13  }
0x8: {  	s20 =	sshll.u32 s13, $0x1;
	s11 =	sadd.s32 $0x1C00, s0;
	s6 =	smul.u32 $0x2800, s2  }
0x9: {  	s13 =	smul.u32 $0x4E20, s13;
	_ =	strace $0x8000004A;
	s8 =	ssub.s32 $0x2, s2  }
0xa: {  	s21 =	sshrl.u32 s7, $0x2;
	s22 =	sshrl.u32 s8, $0x1;
	s5 =	sadd.s32 s5, s6  }
0xb: {  	s6 =	sor.u32 s2, s20;
	s12 =	ssub.s32 s8, s22;
	s2 =	smul.u32 $0x2710, s2  }
0xc: {  	s5 =	sshll.u32 s5, $0x4;
	s9 =	smul.u32 $0x2710, s6;
	s18 =	smax.u32 s12, $0x1  }
0xd: {  	s0 =	sadd.s32 s5, s0;
	s5 =	sadd.s32 s21, s3;
	s26 =	sadd.s32 s2, s13  }
0xe: {  	s6 =	sadd.s32 $0x4000, s5;
	s9 =	sshrl.u32 s9, $0x3;
	s7 =	sadd.s32 $0x8000, s5  }
0xf: {  	s8 =	sadd.s32 $0xC000, s5;
	s10 =	sadd.s32 $0x10000, s5;
	s24 =	sadd.s32 $0x15600, s0  }
0x10: {  	s25 =	sadd.s32 $0x15E00, s0;
	s15 =	sadd.s32 $0x16600, s0;
	s16 =	sadd.s32 $0x16E00, s0  }
0x11: {  	s17 =	sadd.s32 $0x17600, s0;
	s2 =	sadd.s32 $0x180, s26;
	s0 =	sadd.s32 $0x200, s26  }
0x12: {  	s26 =	simm.s32 $0x2780;
	s9 =	sadd.s32 s11, s9;
	[dreg:$0x6] =	wrdreg s24  }
0x13: {  	[dreg:$0x7] =	wrdreg s25;
	s2 =	sshrl.u32 s2, $0x3;
	s0 =	sshrl.u32 s0, $0x3  }
.Ltmp0:
0x14: {  	s24 =	simm.s32 $0x4;
	s25 =	simm.s32 $0x3;
	(pc) =	sbr.rel .LBB2_1-.Ltmp0, $4  }
0x15: {  	s14 =	sadd.s32 $0x9C40, s9;
	s23 =	sadd.s32 $0x4E0, s9;
	s19 =	sadd.s32 $0x10, s9  }
0x16: {  	s20 =	sadd.s32 $0x20, s9;
	s21 =	sadd.s32 s2, s11;
	s22 =	sadd.s32 s0, s11  }
0x17: {  	s0 =	simm.s32 $0x2800;
	s2 =	simm.s32 $0x10;
	[dreg:$0x4] =	wrdreg s14  }
0x18: {  	v0 =	vimm.f32 $0.0e+00;
	s11 =	simm.s32 $0x0;
	[dreg:$0x5] =	wrdreg s23;
	s23 =	simm.s32 $0x2880  }
.LBB2_6:
0x19: {  	_ =	swait.ge [sflag:s25], $0x4000  }
0x1a: {  	[sflag:s25] =	ssyncset.done $0x0  }
0x1b: {  	[sflag:s25] =	ssyncadd.s32 $0xFFFFC000  }
0x1c: {  	_ =	swait.ge [sflag:s25], $0x4000  }
0x1d: {  	[sflag:s25] =	ssyncset.done $0x0  }
0x1e: {  	s12 =	simm.s32 $0x2700;
	[sflag:s25] =	ssyncadd.s32 $0xFFFFC000  }
0x1f: {  	[tilespmem:s23], [sflag:$0x1] =	stream.indirect.gather [hbm4b:s1+s2], $0x80, s12, s2, $0xb8;
	[tilespmem:$0x1E880] =	vst v63  }
0x20: {  	_ =	swait.ge [sflag:s29], $0x800  }
0x21: {  	[sflag:s29] =	ssyncset.done $0x0  }
0x22: {  	s14 =	rddreg [dreg:$0x5];
	[sflag:s29] =	ssyncadd.s32 $0xFFFFF800  }
0x23: {  	[tilespmem:s26], [sflag:$0x4] =	stream.linear.gather [hbm4b:s14+s4], $0x10, $0x38;
	[tilespmem:$0x1E880] =	vst v63  }
0x24: {  	_ =	swait.ge [sflag:s24], $0x10  }
0x25: {  	[sflag:s24] =	ssyncset.done $0x0  }
0x26: {  	[sflag:s24] =	ssyncadd.s32 $0xFFFFFFF0  }
0x27: {  	[spmem:s3] =	stream.indirect.scatter.add.f32 [tilespmem:s23], [sflag:$0x4], $0x80, s26, s2, $0xb8;
	[tilespmem:$0x1E880] =	vst v63  }
0x28: {  	_ =	swait.ge [sflag:s24], $0x800  }
0x29: {  	[sflag:s24] =	ssyncset.done $0x0  }
0x2a: {  	[sflag:s24] =	ssyncadd.s32 $0xFFFFF800  }
0x2b: {  	[bflag:$0x0] =	sbarrier.arrive $0xFFFF  }
0x2c: {  	[tilespmem:s23], [sflag:$0x4] =	stream.linear.gather [spmem:s5], $0x4000, $0x38;
	[tilespmem:$0x1E880] =	vst v63  }
0x2d: {  	_ =	swait.ge [sflag:s24], $0x4000  }
0x2e: {  	[sflag:s24] =	ssyncset.done $0x0  }
0x2f: {  	s13 =	rddreg [dreg:$0x6];
	[sflag:s24] =	ssyncadd.s32 $0xFFFFC000  }
0x30: {  	[hbm4b:s13+s4] =	stream.linear.scatter [tilespmem:s23], [sflag:$0x3], $0x4000, $0x38;
	[tilespmem:$0x1E880] =	vst v63  }
0x31: {  	_ = 	snop  }
0x32: {  	[tilespmem:s31], [sflag:$0x4] =	stream.linear.gather [spmem:s6], $0x4000, $0x38;
	[tilespmem:$0x1E880] =	vst v63  }
0x33: {  	_ =	swait.ge [sflag:s24], $0x4000  }
0x34: {  	[sflag:s24] =	ssyncset.done $0x0  }
0x35: {  	s14 =	rddreg [dreg:$0x7];
	[sflag:s24] =	ssyncadd.s32 $0xFFFFC000  }
0x36: {  	[hbm4b:s14+s4] =	stream.linear.scatter [tilespmem:s31], [sflag:$0x3], $0x4000, $0x38;
	[tilespmem:$0x1E880] =	vst v63  }
0x37: {  	_ =	swait.ge [sflag:s25], $0x4000  }
0x38: {  	[sflag:s25] =	ssyncset.done $0x0  }
0x39: {  	[sflag:s25] =	ssyncadd.s32 $0xFFFFC000  }
0x3a: {  	[tilespmem:s23], [sflag:$0x4] =	stream.linear.gather [spmem:s7], $0x4000, $0x38;
	[tilespmem:$0x1E880] =	vst v63  }
0x3b: {  	_ =	swait.ge [sflag:s24], $0x4000  }
0x3c: {  	[sflag:s24] =	ssyncset.done $0x0  }
0x3d: {  	[sflag:s24] =	ssyncadd.s32 $0xFFFFC000  }
0x3e: {  	[hbm4b:s15+s4] =	stream.linear.scatter [tilespmem:s23], [sflag:$0x3], $0x4000, $0x38;
	[tilespmem:$0x1E880] =	vst v63  }
0x3f: {  	_ =	swait.ge [sflag:s25], $0x4000  }
0x40: {  	[sflag:s25] =	ssyncset.done $0x0  }
0x41: {  	[sflag:s25] =	ssyncadd.s32 $0xFFFFC000  }
0x42: {  	[tilespmem:s31], [sflag:$0x4] =	stream.linear.gather [spmem:s8], $0x4000, $0x38;
	[tilespmem:$0x1E880] =	vst v63  }
0x43: {  	_ =	swait.ge [sflag:s24], $0x4000  }
0x44: {  	[sflag:s24] =	ssyncset.done $0x0  }
0x45: {  	[sflag:s24] =	ssyncadd.s32 $0xFFFFC000  }
0x46: {  	[hbm4b:s16+s4] =	stream.linear.scatter [tilespmem:s31], [sflag:$0x3], $0x4000, $0x38;
	[tilespmem:$0x1E880] =	vst v63  }
0x47: {  	_ =	swait.ge [sflag:s25], $0x4000  }
0x48: {  	[sflag:s25] =	ssyncset.done $0x0  }
0x49: {  	[sflag:s25] =	ssyncadd.s32 $0xFFFFC000  }
0x4a: {  	[tilespmem:s23], [sflag:$0x4] =	stream.linear.gather [spmem:s10], $0x4000, $0x38;
	[tilespmem:$0x1E880] =	vst v63  }
0x4b: {  	_ =	swait.ge [sflag:s24], $0x4000  }
0x4c: {  	[sflag:s24] =	ssyncset.done $0x0  }
0x4d: {  	s11 =	sadd.s32 $0x1, s11;
	[sflag:s24] =	ssyncadd.s32 $0xFFFFC000  }
0x4e: {  	[hbm4b:s17+s4] =	stream.linear.scatter [tilespmem:s23], [sflag:$0x3], $0x4000, $0x38;
	[tilespmem:$0x1E880] =	vst v63  }
0x4f: {  	p0 =	sne.s32 s11, s18;
	_ =	swait.ge [sflag:s25], $0x4000  }
.Ltmp1:
0x50: {  	[sflag:s25] =	ssyncset.done $0x0;
	(pc) =	sbr.rel @!p0 .LBB2_7-.Ltmp1, $4  }
0x51: {  	[sflag:s25] =	ssyncadd.s32 $0xFFFFC000  }
0x52: {  	_ =	swait.ge [sflag:s25], $0x4000  }
0x53: {  	[sflag:s25] =	ssyncset.done $0x0  }
0x54: {  	[sflag:s25] =	ssyncadd.s32 $0xFFFFC000  }
.LBB2_1:
0x55: {  	s12 =	simm.s32 $0x0;
	s13 =	simm.s32 $0x200  }
.LBB2_2:
0x56: {  	p0 =	sne.s32 s13, $0xFE00;
	[tilespmem:s12+$0x28F0] =	vst v0  }
0x57: {  	[tilespmem:s12+$0x2880] =	vst v0  }
0x58: {  	[tilespmem:s12+$0x2890] =	vst v0  }
.Ltmp2:
0x59: {  	[tilespmem:s12+$0x28A0] =	vst v0;
	(pc) =	sbr.rel @p0 .LBB2_2-.Ltmp2, $4  }
0x5a: {  	[tilespmem:s12+$0x28B0] =	vst v0  }
0x5b: {  	[tilespmem:s12+$0x28C0] =	vst v0  }
0x5c: {  	[tilespmem:s12+$0x28D0] =	vst v0  }
0x5d: {  	[tilespmem:s12+$0x28E0] =	vst v0;
	s12 =	sshra.s32 s13, $0x2;
	s13 =	sadd.s32 $0x200, s13  }
0x5e: {  	[tilespmem:s12+$0x28F0] =	vst v0  }
0x5f: {  	[tilespmem:s12+$0x2880] =	vst v0  }
0x60: {  	[tilespmem:s12+$0x2890] =	vst v0  }
0x61: {  	[tilespmem:s12+$0x28A0] =	vst v0  }
0x62: {  	[tilespmem:s12+$0x28B0] =	vst v0  }
0x63: {  	[tilespmem:s12+$0x28C0] =	vst v0  }
0x64: {  	[tilespmem:s12+$0x28D0] =	vst v0  }
0x65: {  	[tilespmem:s12+$0x28E0] =	vst v0  }
0x66: {  	[spmem:s5] =	stream.linear.scatter [tilespmem:s23], [sflag:$0x3], $0x4000, $0x38;
	[tilespmem:$0x1E880] =	vst v63  }
0x67: {  	_ = 	snop  }
0x68: {  	[spmem:s6] =	stream.linear.scatter [tilespmem:s23], [sflag:$0x3], $0x4000, $0x38;
	[tilespmem:$0x1E880] =	vst v63  }
0x69: {  	_ = 	snop  }
0x6a: {  	[spmem:s7] =	stream.linear.scatter [tilespmem:s23], [sflag:$0x3], $0x4000, $0x38;
	[tilespmem:$0x1E880] =	vst v63  }
0x6b: {  	_ = 	snop  }
0x6c: {  	[spmem:s8] =	stream.linear.scatter [tilespmem:s23], [sflag:$0x3], $0x4000, $0x38;
	[tilespmem:$0x1E880] =	vst v63  }
0x6d: {  	_ = 	snop  }
0x6e: {  	[spmem:s10] =	stream.linear.scatter [tilespmem:s23], [sflag:$0x3], $0x4000, $0x38;
	[tilespmem:$0x1E880] =	vst v63  }
0x6f: {  	s12 =	simm.s32 $0x0;
	s13 =	rddreg [dreg:$0x4]  }
0x70: {  	[tilespmem:s12], [sflag:$0x4] =	stream.linear.gather [hbm4b:s13+s12], $0x2710, $0x38;
	[tilespmem:$0x1E880] =	vst v63  }
0x71: {  	_ =	swait.ge [sflag:s24], $0x2710  }
0x72: {  	[sflag:s24] =	ssyncset.done $0x0  }
0x73: {  	[sflag:s24] =	ssyncadd.s32 $0xFFFFD8F0  }
0x74: {  	_ =	swait.ge [sflag:s25], $0x4000  }
0x75: {  	[sflag:s25] =	ssyncset.done $0x0  }
0x76: {  	[sflag:s25] =	ssyncadd.s32 $0xFFFFC000  }
0x77: {  	_ =	swait.ge [sflag:s25], $0x4000  }
0x78: {  	[sflag:s25] =	ssyncset.done $0x0  }
0x79: {  	[sflag:s25] =	ssyncadd.s32 $0xFFFFC000  }
0x7a: {  	_ =	swait.ge [sflag:s25], $0x4000  }
0x7b: {  	[sflag:s25] =	ssyncset.done $0x0  }
0x7c: {  	[sflag:s25] =	ssyncadd.s32 $0xFFFFC000  }
0x7d: {  	_ =	swait.ge [sflag:s25], $0x4000  }
0x7e: {  	[sflag:s25] =	ssyncset.done $0x0  }
0x7f: {  	[sflag:s25] =	ssyncadd.s32 $0xFFFFC000  }
0x80: {  	_ =	swait.ge [sflag:s25], $0x4000  }
0x81: {  	[sflag:s25] =	ssyncset.done $0x0  }
0x82: {  	[sflag:s25] =	ssyncadd.s32 $0xFFFFC000  }
0x83: {  	[bflag:$0x0] =	sbarrier.arrive $0xFFFF  }
0x84: {  	[tilespmem:s26], [sflag:$0x2] =	stream.linear.gather [hbm4b:s9+s12], $0x80, $0x38;
	[tilespmem:$0x1E880] =	vst v63  }
0x85: {  	_ = 	snop  }
0x86: {  	[tilespmem:s23], [sflag:$0x1] =	stream.indirect.gather [hbm4b:s1+s28], $0x80, s12, s28, $0xb8;
	[tilespmem:$0x1E880] =	vst v63  }
0x87: {  	_ =	swait.ge [sflag:s29], $0x4000  }
0x88: {  	[sflag:s29] =	ssyncset.done $0x0  }
0x89: {  	[sflag:s29] =	ssyncadd.s32 $0xFFFFC000  }
0x8a: {  	_ =	swait.ge [sflag:s30], $0x80  }
0x8b: {  	[sflag:s30] =	ssyncset.done $0x0  }
0x8c: {  	[sflag:s30] =	ssyncadd.s32 $0xFFFFFF80  }
0x8d: {  	[spmem:s3] =	stream.indirect.scatter.add.f32 [tilespmem:s23], [sflag:$0x3], $0x80, s26, s28, $0xb8;
	[tilespmem:$0x1E880] =	vst v63  }
0x8e: {  	_ = 	snop  }
0x8f: {  	[tilespmem:s31], [sflag:$0x1] =	stream.indirect.gather [hbm4b:s1+s28], $0x80, s28, s28, $0xb8;
	[tilespmem:$0x1E880] =	vst v63  }
0x90: {  	_ = 	snop  }
0x91: {  	[tilespmem:s0], [sflag:$0x2] =	stream.linear.gather [hbm4b:s19+s12], $0x80, $0x38;
	[tilespmem:$0x1E880] =	vst v63  }
0x92: {  	_ =	swait.ge [sflag:s29], $0x4000  }
0x93: {  	[sflag:s29] =	ssyncset.done $0x0  }
0x94: {  	[sflag:s29] =	ssyncadd.s32 $0xFFFFC000  }
0x95: {  	_ =	swait.ge [sflag:s30], $0x80  }
0x96: {  	[sflag:s30] =	ssyncset.done $0x0  }
0x97: {  	[sflag:s30] =	ssyncadd.s32 $0xFFFFFF80  }
0x98: {  	[spmem:s3] =	stream.indirect.scatter.add.f32 [tilespmem:s31], [sflag:$0x3], $0x80, s0, s28, $0xb8;
	[tilespmem:$0x1E880] =	vst v63  }
0x99: {  	_ =	swait.ge [sflag:s25], $0x4000  }
0x9a: {  	[sflag:s25] =	ssyncset.done $0x0  }
0x9b: {  	s14 =	simm.s32 $0x100;
	[sflag:s25] =	ssyncadd.s32 $0xFFFFC000  }
0x9c: {  	[tilespmem:s23], [sflag:$0x1] =	stream.indirect.gather [hbm4b:s1+s28], $0x80, s14, s28, $0xb8;
	[tilespmem:$0x1E880] =	vst v63  }
0x9d: {  	s13 =	simm.s32 $0x180  }
0x9e: {  	[tilespmem:s26], [sflag:$0x2] =	stream.linear.gather [hbm4b:s20+s12], $0x80, $0x38;
	[tilespmem:$0x1E880] =	vst v63  }
.LBB2_4:
0x9f: {  	_ =	swait.ge [sflag:s29], $0x4000  }
0xa0: {  	[sflag:s29] =	ssyncset.done $0x0  }
0xa1: {  	[sflag:s29] =	ssyncadd.s32 $0xFFFFC000  }
0xa2: {  	_ =	swait.ge [sflag:s30], $0x80  }
0xa3: {  	[sflag:s30] =	ssyncset.done $0x0  }
0xa4: {  	[sflag:s30] =	ssyncadd.s32 $0xFFFFFF80  }
0xa5: {  	[spmem:s3] =	stream.indirect.scatter.add.f32 [tilespmem:s23], [sflag:$0x3], $0x80, s26, s28, $0xb8;
	[tilespmem:$0x1E880] =	vst v63  }
0xa6: {  	_ =	swait.ge [sflag:s25], $0x4000  }
0xa7: {  	[sflag:s25] =	ssyncset.done $0x0  }
0xa8: {  	[sflag:s25] =	ssyncadd.s32 $0xFFFFC000  }
0xa9: {  	[tilespmem:s31], [sflag:$0x1] =	stream.indirect.gather [hbm4b:s1+s28], $0x80, s13, s28, $0xb8;
	[tilespmem:$0x1E880] =	vst v63  }
0xaa: {  	s14 =	sadd.s32 s12, s21  }
0xab: {  	[tilespmem:s0], [sflag:$0x2] =	stream.linear.gather [hbm4b:s14+s4], $0x80, $0x38;
	[tilespmem:$0x1E880] =	vst v63  }
0xac: {  	_ =	swait.ge [sflag:s29], $0x4000  }
0xad: {  	p0 =	seq.s32 s12, $0x4A0;
	[sflag:s29] =	ssyncset.done $0x0  }
.Ltmp3:
0xae: {  	[sflag:s29] =	ssyncadd.s32 $0xFFFFC000;
	(pc) =	sbr.rel @p0 .LBB2_6-.Ltmp3, $4  }
0xaf: {  	_ =	swait.ge [sflag:s30], $0x80  }
0xb0: {  	[sflag:s30] =	ssyncset.done $0x0  }
0xb1: {  	[sflag:s30] =	ssyncadd.s32 $0xFFFFFF80  }
0xb2: {  	[spmem:s3] =	stream.indirect.scatter.add.f32 [tilespmem:s31], [sflag:$0x3], $0x80, s0, s28, $0xb8;
	[tilespmem:$0x1E880] =	vst v63  }
0xb3: {  	_ =	swait.ge [sflag:s25], $0x4000  }
.Ltmp4:
0xb4: {  	[sflag:s25] =	ssyncset.done $0x0;
	(pc) =	sbr.rel .LBB2_4-.Ltmp4, $4  }
0xb5: {  	s14 =	sadd.s32 $0x80, s13;
	[sflag:s25] =	ssyncadd.s32 $0xFFFFC000  }
0xb6: {  	[tilespmem:s23], [sflag:$0x1] =	stream.indirect.gather [hbm4b:s1+s28], $0x80, s14, s28, $0xb8;
	[tilespmem:$0x1E880] =	vst v63  }
0xb7: {  	s13 =	sadd.s32 $0x100, s13;
	s14 =	sadd.s32 s12, s22;
	s12 =	sadd.s32 $0x20, s12  }
0xb8: {  	[tilespmem:s26], [sflag:$0x2] =	stream.linear.gather [hbm4b:s14+s4], $0x80, $0x38;
	[tilespmem:$0x1E880] =	vst v63  }
.LBB2_7:
0xb9: {  	_ =	sfence.sel $0x180000  }
0xba: {  	[bflag:$0x0] =	sbarrier.arrive $0xFFFF  }
0xbb: {  	_ =	strace $0x9000004A  }
0xbc: {  	s0 =	stileid.u32;
	[bflag:$0x2] =	sbarrier.arrive $0xFFFF  }
0xbd: {  	p0 =	sne.s32 s0, $0x0;
	s0 =	rddreg [dreg:$0x3]  }
0xbe: {  	s0 =	sadd.s32 @!p0 $0x100000, s0  }
0xbf: {  	[sflag:s0] =	ssyncadd.tile.s32 @!p0 $0x1;
	_ =	shalt  }
.Lfunc_end2:
_tile_overlayer_lowered:
.L_overlay_start_2:
0xc0: {  	(tag) =	ssettag $0x2  }
0xc1: {  	s0 =	rddreg [dreg:$0x0];
	s2 =	stileid.u32  }
0xc2: {  	s1 =	rddreg [dreg:$0x1];
	p0 =	sne.s32 s2, $0x0  }
0xc3: {  	s3 =	rddreg [dreg:$0x2];
	[bflag:$0x3] =	sbarrier.arrive $0xFFFF;
	s2 =	simm.s32 @!p0 $0x1C04  }
0xc4: {  	[timem:s3], [sflag:s2] =	dma.local @!p0 [hbm:s0], s1  }
0xc5: {  	s0 =	simm.s32 @!p0 $0x4  }
0xc6: {  	_ =	swait.ge @!p0 [sflag:s0], s1  }
0xc7: {  	s1 =	ssub.s32 @!p0 $0x0, s1;
	[sflag:s0] =	ssyncset.done @!p0 $0x0  }
0xc8: {  	[sflag:s0] =	ssyncadd.s32 @!p0 s1  }
0xc9: {  	[bflag:$0x3] =	sbarrier.arrive $0xFFFF  }
0xca: {  	_ =	shalt  }

// kernel: kernel.7.cloned.1.call-start
scs
__scs_entry_jumppad:
0x0: {  	(pc) =	sbr.rel $0x88, $3  }
0x1: {  	(tag) =	ssettag $0x0;
	lr =	simm.s32 $0x1  }
0x2: {  	[smem:$0x3F9D] =	sst lr;
	_ =	strace $0xD0000000  }
0x3: {  	_ = 	snop  }
0x4: {  	_ = 	snop  }
0x5: {  	_ = 	snop  }
0x6: {  	_ = 	snop  }
0x7: {  	_ = 	snop  }
__scs_overlays_trampoline_lowered:
0x8: {  	[smem:$0x3FAC] =	sst s0  }
0x9: {  	[smem:$0x3FAD] =	sst s1  }
0xa: {  	[smem:$0x3FAE] =	sst s2  }
0xb: {  	[smem:$0x3FAF] =	sst s3  }
0xc: {  	[smem:$0x3FB0] =	sst s4  }
0xd: {  	[smem:$0x3FB1] =	sst s5  }
0xe: {  	[smem:$0x3FB2] =	sst s6  }
0xf: {  	[smem:$0x3FB3] =	sst s7  }
0x10: {  	[smem:$0x3FB4] =	sst s8  }
0x11: {  	[smem:$0x3FB5] =	sst s9;
	s0 =	simm.s32 @!p0 $0x0  }
0x12: {  	s1 =	sld [smem:$0x3F9B];
	s0 =	simm.s32 @p0 $0x1  }
0x13: {  	[smem:$0x3FB6] =	sst s0;
	s0 =	simm.s32 @!p1 $0x0  }
0x14: {  	s2 =	sld [smem:$0x3F9A];
	s0 =	simm.s32 @p1 $0x1  }
0x15: {  	[smem:$0x3FB7] =	sst s0;
	s0 =	simm.s32 @!p2 $0x0  }
0x16: {  	s3 =	sld [smem:$0x3FDB];
	s0 =	simm.s32 @p2 $0x1  }
0x17: {  	s4 =	simm.s32 $0x1BF5;
	[smem:$0x3FB9] =	sst s0  }
0x18: {  	s0 =	sld [smem:$0x3F9C];
	_ =	swait.ge [sflag:s4], $0x0  }
0x19: {  	s7 =	sld [smem:$0x3F9D]  }
0x1a: {  	s8 =	sadd.s32 $0xFFFFE003, lr  }
0x1b: {  	s9 =	sadd.s32 $0xFFFFFEF7, lr;
	s5 =	simm.s32 $0xFFFFFFFF;
	p2 =	slt.u32 s8, $0xFFFFF086  }
0x1c: {  	p1 =	slt.u32 s9, $0xF7A;
	s5 =	simm.s32 @!p2 $0x0  }
0x1d: {  	s5 =	simm.s32 @p1 $0x1;
	p0 =	seq.s32 s7, s2  }
0x1e: {  	s7 =	smul.u32 @!p0 $0xF7A, s2;
	p2 =	seq.s32 @!p0 s5, $0x0  }
0x1f: {  	s9 =	smul.u32 $0xF7A, s1;
	s8 =	simm.s32 @!p0 $0x1BF5;
	p2 =	por !p2, p0  }
0x20: {  	[sflag:s8] =	ssyncset.s32 @!p0 $0xFFFFF086;
	s6 =	sadd.s32 @!p0 s3, s7;
	s7 =	simm.s32 @!p0 $0x108  }
0x21: {  	s3 =	sadd.s32 s3, s9;
	s6 =	sadd.s32 @!p0 $0x88, s6;
	s7 =	simm.s32 @p2 $0x1082  }
0x22: {  	[simem:s7], [sflag:s8] =	dma.local @!p0 [hbm:s6], $0xF7A  }
0x23: {  	s9 =	sor.u32 $0xD0000000, s2;
	s6 =	simm.s32 $0x108;
	_ =	swait.ge @!p0 [sflag:s8], $0x0  }
0x24: {  	s3 =	sadd.s32 $0x88, s3;
	s6 =	simm.s32 @!p1 $0x1082;
	[sflag:s4] =	ssyncset.s32 $0xFFFFF086  }
0x25: {  	[simem:s6], [sflag:s4] =	dma.local [hbm:s3], $0xF7A  }
0x26: {  	[smem:$0x3F9D] =	sst s1;
	(tag) =	ssettag s2;
	_ =	strace s9  }
0x27: {  	s1 =	sld [smem:$0x3FAD]  }
0x28: {  	s2 =	sld [smem:$0x3FAE]  }
0x29: {  	s4 =	sld [smem:$0x3FB0]  }
0x2a: {  	p0 =	seq.s32 s5, $0x0;
	s5 =	sld [smem:$0x3FB1]  }
0x2b: {  	s6 =	sld [smem:$0x3FB2]  }
0x2c: {  	s7 =	sld [smem:$0x3FB3]  }
0x2d: {  	s3 =	simm.s32 $0x108;
	s8 =	sld [smem:$0x3FB4]  }
0x2e: {  	s3 =	simm.s32 @!p0 $0x1082;
	s9 =	sld [smem:$0x3FB5]  }
0x2f: {  	lr =	sadd.s32 s0, s3;
	s0 =	sld [smem:$0x3FAC]  }
0x30: {  	s3 =	sld [smem:$0x3FAF]  }
0x31: {  	[smem:$0x3FB8] =	sst s10  }
0x32: {  	s10 =	sld [smem:$0x3FB6];
	_ =	sdelay $0x3  }
0x33: {  	p0 =	seq.s32 s10, $0x1;
	s10 =	sld [smem:$0x3FB8];
	_ =	sdelay $0x3  }
0x34: {  	[smem:$0x3FB8] =	sst s10  }
0x35: {  	s10 =	sld [smem:$0x3FB7];
	_ =	sdelay $0x3  }
0x36: {  	p1 =	seq.s32 s10, $0x1;
	s10 =	sld [smem:$0x3FB8];
	_ =	sdelay $0x3  }
0x37: {  	[smem:$0x3FB8] =	sst s10  }
0x38: {  	s10 =	sld [smem:$0x3FB9]  }
0x39: {  	_ = 	snop;
	(pc) =	sbr.ind lr, $3  }
0x3a: {  	_ = 	snop  }
0x3b: {  	_ = 	snop  }
0x3c: {  	p2 =	seq.s32 s10, $0x1;
	s10 =	sld [smem:$0x3FB8]  }
0x3d: {  	_ =	shalt  }
0x3e: {  	_ =	shalt  }
0x3f: {  	_ =	shalt  }
0x40: {  	_ =	shalt  }
0x41: {  	_ =	shalt  }
0x42: {  	_ =	shalt  }
0x43: {  	_ =	shalt  }
0x44: {  	_ =	shalt  }
0x45: {  	_ =	shalt  }
0x46: {  	_ =	shalt  }
0x47: {  	_ =	shalt  }
0x48: {  	_ =	shalt  }
0x49: {  	_ =	shalt  }
0x4a: {  	_ =	shalt  }
0x4b: {  	_ =	shalt  }
0x4c: {  	_ =	shalt  }
0x4d: {  	_ =	shalt  }
0x4e: {  	_ =	shalt  }
0x4f: {  	_ =	shalt  }
0x50: {  	_ =	shalt  }
0x51: {  	_ =	shalt  }
0x52: {  	_ =	shalt  }
0x53: {  	_ =	shalt  }
0x54: {  	_ =	shalt  }
0x55: {  	_ =	shalt  }
0x56: {  	_ =	shalt  }
0x57: {  	_ =	shalt  }
0x58: {  	_ =	shalt  }
0x59: {  	_ =	shalt  }
0x5a: {  	_ =	shalt  }
0x5b: {  	_ =	shalt  }
0x5c: {  	_ =	shalt  }
0x5d: {  	_ =	shalt  }
0x5e: {  	_ =	shalt  }
0x5f: {  	_ =	shalt  }
0x60: {  	_ =	shalt  }
0x61: {  	_ =	shalt  }
0x62: {  	_ =	shalt  }
0x63: {  	_ =	shalt  }
0x64: {  	_ =	shalt  }
0x65: {  	_ =	shalt  }
0x66: {  	_ =	shalt  }
0x67: {  	_ =	shalt  }
0x68: {  	_ =	shalt  }
0x69: {  	_ =	shalt  }
0x6a: {  	_ =	shalt  }
0x6b: {  	_ =	shalt  }
0x6c: {  	_ =	shalt  }
0x6d: {  	_ =	shalt  }
0x6e: {  	_ =	shalt  }
0x6f: {  	_ =	shalt  }
0x70: {  	_ =	shalt  }
0x71: {  	_ =	shalt  }
0x72: {  	_ =	shalt  }
0x73: {  	_ =	shalt  }
0x74: {  	_ =	shalt  }
0x75: {  	_ =	shalt  }
0x76: {  	_ =	shalt  }
0x77: {  	_ =	shalt  }
0x78: {  	_ =	shalt  }
0x79: {  	_ =	shalt  }
0x7a: {  	_ =	shalt  }
0x7b: {  	_ =	shalt  }
0x7c: {  	_ =	shalt  }
0x7d: {  	_ =	shalt  }
0x7e: {  	_ =	shalt  }
0x7f: {  	_ =	shalt  }
0x80: {  	_ =	shalt  }
0x81: {  	_ =	shalt  }
0x82: {  	_ =	shalt  }
0x83: {  	_ =	shalt  }
0x84: {  	_ =	shalt  }
0x85: {  	_ =	shalt  }
0x86: {  	_ =	shalt  }
0x87: {  	_ =	shalt  }
.Lfunc_end0:
.L_simem_size_0:
called_computation_lowered:
.L_overlay_start_0:
0x88: {  	s2 =	sld [smem:$0x3FD9]  }
0x89: {  	s3 =	sld [smem:$0x3FFE];
	_ =	sdelay $0x1  }
0x8a: {  	s1 =	srdreg.scid  }
0x8b: {  	s0 =	sand.u32 $0x1, s1  }
0x8c: {  	s17 =	sshll.u32 s0, $0xA;
	s2 =	sadd.s32 s3, s2  }
0x8d: {  	s2 =	sadd.s32 s2, s17  }
0x8e: {  	[smem:$0x3FC4] =	sst s2  }
0x8f: {  	_ = 	snop  }
0x90: {  	s2 =	sld [smem:$0x3FD0];
	(tm) =	ssettm $0x1  }
0x91: {  	s18 =	sld [smem:$0x3FFB];
	_ =	sdelay $0x3  }
0x92: {  	_ =	strace s18  }
0x93: {  	s3 =	sld [smem:$0x3FFC];
	_ =	sdelay $0x3  }
0x94: {  	_ =	strace s3  }
0x95: {  	s3 =	sld [smem:$0x3FFD];
	_ =	sdelay $0x3  }
0x96: {  	_ =	strace s3  }
0x97: {  	_ =	strace $0x8FFFFFFF  }
0x98: {  	s19 =	sld [smem:$0x3FDB];
	_ =	sdelay $0x1  }
0x99: {  	s4 =	simm.s32 $_scs_section_size  }
0x9a: {  	s5 =	simm.s32 $_size__tile_overlayer_lowered;
	s6 =	simm.s32 $_tile_overlayer_lowered  }
0x9b: {  	s22 =	simm.s32 $0x1BFF;
	s21 =	sshll.u32 s6, $0x1;
	s3 =	sadd.s32 s4, s19  }
0x9c: {  	s7 =	simm.s32 $0x0;
	s20 =	sshll.u32 s5, $0x1;
	s5 =	sadd.s32 s21, s3  }
0x9d: {  	[timem:s7], [sflag:s22] =	dma.local [hbm:s5], s20  }
0x9e: {  	_ =	swait.ge [sflag:s22], s20  }
0x9f: {  	s4 =	ssub.s32 $0x0, s20;
	[sflag:s22] =	ssyncset.done $0x0  }
0xa0: {  	[sflag:s22] =	ssyncadd.s32 s4;
	_ =	sdelay $0x1  }
0xa1: {  	s23 =	simm.s32 $0x1B8B  }
0xa2: {  	_ =	swait.ge [sflag:s23], $0x1  }
0xa3: {  	[sflag:s23] =	ssyncset.done $0x0  }
0xa4: {  	s25 =	simm.s32 $0x1B8E;
	s24 =	sld [smem:$0x3FFE];
	[sflag:s23] =	ssyncadd.s32 $0xFFFFFFFF  }
0xa5: {  	s26 =	simm.s32 $execute0_lowered;
	[smem:$0x3FD2] =	sst s25  }
0xa6: {  	s5 =	sshll.u32 s26, $0x1;
	_ =	strace $0x80000046;
	[dreg:$0x1] =	wrdreg $0xFFFFFFFF  }
0xa7: {  	s28 =	simm.s32 $_size_execute0_lowered;
	s3 =	sadd.s32 s3, s5;
	[dreg:$0x0] =	wrdreg $0x0  }
0xa8: {  	s5 =	sshll.u32 s28, $0x1;
	[dreg:$0x2] =	wrdreg s3  }
0xa9: {  	[dreg:$0x3] =	wrdreg s5  }
0xaa: {  	[dreg:$0x4] =	wrdreg $0xC0  }
0xab: {  	_ =	task [dreg:s7], $0x5FFFF  }
0xac: {  	[dreg:$0x1] =	wrdreg $0xFFFFFFFF  }
0xad: {  	[dreg:$0x0] =	wrdreg $0x60  }
0xae: {  	[dreg:$0x2] =	wrdreg s24  }
0xaf: {  	[dreg:$0x3] =	wrdreg s2  }
0xb0: {  	[dreg:$0x4] =	wrdreg $0x2A800  }
0xb1: {  	[dreg:$0x5] =	wrdreg $0x9  }
0xb2: {  	_ =	task.clear_ibuf [dreg:s7], $0x6FFFF;
	_ =	strace $0x90000046  }
0xb3: {  	s29 =	simm.s32 $0x9;
	_ =	strace $0x80000048  }
0xb4: {  	_ =	swait.ge [sflag:s29], $0x1  }
0xb5: {  	[sflag:s29] =	ssyncadd.s32 $0xFFFFFFFF  }
0xb6: {  	_ =	strace $0x90000048  }
0xb7: {  	_ =	sfence  }
0xb8: {  	s30 =	sld [smem:$0x0];
	_ =	sdelay $0x2  }
0xb9: {  	s31 =	sshll.u32 s1, $0xD;
	s1 =	sshrl.u32 s1, $0x2  }
0xba: {  	s3 =	sand.u32 $0x4000, s31;
	s1 =	sadd.s32 s1, s30  }
0xbb: {  	s0 =	sor.u32 s3, s0;
	s1 =	sshll.u32 s1, $0x11  }
0xbc: {  	s0 =	sor.u32 s1, s0  }
0xbd: {  	s0 =	sadd.s32 $0x8F2B, s0  }
0xbe: {  	[sflag:s0] =	ssyncadd.remote.s32 $0x1  }
0xbf: {  	_ =	sfence.sel $0xFFFF  }
0xc0: {  	[dreg:$0x0] =	wrdreg $0xFFFFFFFF;
	(pc) =	sbr.abs _section_cstart, $3  }
0xc1: {  	[dreg:$0x1] =	wrdreg $0xFFFFFFFF  }
0xc2: {  	_ =	task.clear_ibuf [dreg:s7], $0x2FFFF;
	_ =	strace $0x9FFFFFFF  }
0xc3: {  	(tm) =	ssettm $0x7FFFFFFF  }
tec
execute0_lowered:
.L_overlay_start_1:
0x0: {  	(tag) =	ssettag $0x1  }
0x1: {  	s4 =	rddreg [dreg:$0x0]  }
0x2: {  	s1 =	srdreg.scid;
	s6 =	rddreg [dreg:$0x1]  }
0x3: {  	s0 =	stileid.u32;
	s2 =	rddreg [dreg:$0x2]  }
0x4: {  	s3 =	simm.s32 $0x0;
	s11 =	simm.s32 $0x2780;
	s12 =	simm.s32 $0x10  }
0x5: {  	s13 =	simm.s32 $0x2700;
	s14 =	simm.s32 $0x0;
	s5 =	sand.u32 $0x1, s1  }
0x6: {  	s29 =	sshll.u32 s0, $0x1;
	s8 =	smul.u32 $0x280, s0;
	[smem:$0x7FF] =	sst s3  }
0x7: {  	s1 =	sor.u32 s5, s29;
	s9 =	ssub.s32 $0x2, s5;
	s5 =	smul.u32 $0x2800, s5  }
0x8: {  	s7 =	smul.u32 $0x4E2, s1;
	s1 =	rddreg [dreg:$0x3];
	s10 =	sshrl.u32 s9, $0x1  }
0x9: {  	_ =	strace $0x80000047;
	s9 =	ssub.s32 s9, s10;
	s30 =	sadd.s32 s8, s5  }
0xa: {  	s10 =	simm.s32 $0x80;
	s7 =	sadd.s32 s7, s4;
	s4 =	sadd.s32 s8, s2  }
0xb: {  	s31 =	sshrl.u32 s30, $0x3;
	s8 =	simm.s32 $0x2800;
	s5 =	sadd.s32 $0x1C00, s7  }
0xc: {  	v0 =	vimm.f32 $1.000000000e+00;
	v1 =	vimm.f32 $0.0e+00;
	s6 =	sadd.s32 s6, s31;
	s7 =	smax.u32 s9, $0x1;
	s9 =	simm.s32 $0x1  }
.LBB2_1:
0xd: {  	[tilespmem:$0x2780] =	vst v0  }
0xe: {  	[tilespmem:$0x2790] =	vst v0  }
0xf: {  	[tilespmem:$0x27A0] =	vst v0  }
0x10: {  	[tilespmem:$0x27B0] =	vst v0  }
0x11: {  	[tilespmem:$0x27C0] =	vst v0  }
0x12: {  	[tilespmem:$0x27D0] =	vst v0  }
0x13: {  	[tilespmem:$0x27E0] =	vst v0  }
0x14: {  	[tilespmem:$0x27F0] =	vst v0  }
0x15: {  	[tilespmem:$0x2800] =	vst v1  }
0x16: {  	[tilespmem:$0x2810] =	vst v1  }
0x17: {  	[tilespmem:$0x2820] =	vst v1  }
0x18: {  	[tilespmem:$0x2830] =	vst v1  }
0x19: {  	[tilespmem:$0x2840] =	vst v1  }
0x1a: {  	[tilespmem:$0x2850] =	vst v1  }
0x1b: {  	[tilespmem:$0x2860] =	vst v1  }
0x1c: {  	[tilespmem:$0x2870] =	vst v1  }
0x1d: {  	[tilespmem:$0x2880] =	vst v1  }
0x1e: {  	[tilespmem:$0x2890] =	vst v1  }
0x1f: {  	[tilespmem:$0x28A0] =	vst v1  }
0x20: {  	[tilespmem:$0x28B0] =	vst v1  }
0x21: {  	[tilespmem:$0x28C0] =	vst v1  }
0x22: {  	[tilespmem:$0x28D0] =	vst v1  }
0x23: {  	[tilespmem:$0x28E0] =	vst v1  }
0x24: {  	[tilespmem:$0x28F0] =	vst v1  }
0x25: {  	[tilespmem:$0x2900] =	vst v1  }
0x26: {  	[tilespmem:$0x2910] =	vst v1  }
0x27: {  	[tilespmem:$0x2920] =	vst v1  }
0x28: {  	[tilespmem:$0x2930] =	vst v1  }
0x29: {  	[tilespmem:$0x2940] =	vst v1  }
0x2a: {  	[tilespmem:$0x2950] =	vst v1  }
0x2b: {  	[tilespmem:$0x2960] =	vst v1  }
0x2c: {  	[tilespmem:$0x2970] =	vst v1  }
0x2d: {  	[tilespmem:$0x2980] =	vst v1  }
0x2e: {  	[tilespmem:$0x2990] =	vst v1  }
0x2f: {  	[tilespmem:$0x29A0] =	vst v1  }
0x30: {  	[tilespmem:$0x29B0] =	vst v1  }
0x31: {  	[tilespmem:$0x29C0] =	vst v1  }
0x32: {  	[tilespmem:$0x29D0] =	vst v1  }
0x33: {  	[tilespmem:$0x29E0] =	vst v1  }
0x34: {  	[tilespmem:$0x29F0] =	vst v1  }
0x35: {  	[tilespmem:$0x2A00] =	vst v1  }
0x36: {  	[tilespmem:$0x2A10] =	vst v1  }
0x37: {  	[tilespmem:$0x2A20] =	vst v1  }
0x38: {  	[tilespmem:$0x2A30] =	vst v1  }
0x39: {  	[tilespmem:$0x2A40] =	vst v1  }
0x3a: {  	[tilespmem:$0x2A50] =	vst v1  }
0x3b: {  	[tilespmem:$0x2A60] =	vst v1  }
0x3c: {  	[tilespmem:$0x2A70] =	vst v1  }
0x3d: {  	[spmem:s4] =	stream.linear.scatter [tilespmem:s8], [sflag:$0x1], $0x280, $0x38;
	[tilespmem:$0x2D00] =	vst v63  }
0x3e: {  	_ =	swait.ge [sflag:s9], $0x280  }
0x3f: {  	[sflag:s9] =	ssyncset.done $0x0  }
0x40: {  	[sflag:s9] =	ssyncadd.s32 $0xFFFFFD80  }
0x41: {  	[tilespmem:s3], [sflag:$0x1] =	stream.linear.gather [hbm4b:s5+s3], $0x2710, $0x38;
	[tilespmem:$0x2D00] =	vst v63  }
0x42: {  	_ =	swait.ge [sflag:s9], $0x2710  }
0x43: {  	[sflag:s9] =	ssyncset.done $0x0  }
0x44: {  	[sflag:s9] =	ssyncadd.s32 $0xFFFFD8F0  }
0x45: {  	s15 =	simm.s32 $0x0;
	[bflag:$0x0] =	sbarrier.arrive $0xFFFF  }
0x46: {  	[spmem:s2] =	stream.indirect.scatter.add.f32 [tilespmem:s11], [sflag:$0x1], $0x1, s15, s10, $0xb8;
	[tilespmem:$0x2D00] =	vst v63  }
0x47: {  	_ =	swait.ge [sflag:s9], $0x80  }
0x48: {  	s15 =	simm.s32 $0x200;
	[sflag:s9] =	ssyncset.done $0x0  }
.LBB2_2:
0x49: {  	s16 =	sshra.s32 s15, $0x2;
	[sflag:s9] =	ssyncadd.s32 $0xFFFFFF80;
	p0 =	sne.s32 s15, $0x9A00  }
0x4a: {  	[spmem:s2] =	stream.indirect.scatter.add.f32 [tilespmem:s11], [sflag:$0x1], $0x1, s16, s10, $0xb8;
	[tilespmem:$0x2D00] =	vst v63  }
.Ltmp0:
0x4b: {  	_ = 	snop;
	(pc) =	sbr.rel @p0 .LBB2_2-.Ltmp0, $4  }
0x4c: {  	_ = 	snop  }
0x4d: {  	s15 =	sadd.s32 $0x200, s15  }
0x4e: {  	_ =	swait.ge [sflag:s9], $0x80  }
0x4f: {  	[sflag:s9] =	ssyncset.done $0x0  }
0x50: {  	[sflag:s9] =	ssyncadd.s32 $0xFFFFFF80  }
0x51: {  	[spmem:s2] =	stream.indirect.scatter.add.f32 [tilespmem:s11], [sflag:$0x1], $0x1, s13, s12, $0xb8;
	[tilespmem:$0x2D00] =	vst v63  }
0x52: {  	_ =	swait.ge [sflag:s9], $0x10  }
0x53: {  	[sflag:s9] =	ssyncset.done $0x0  }
0x54: {  	[sflag:s9] =	ssyncadd.s32 $0xFFFFFFF0  }
0x55: {  	[bflag:$0x0] =	sbarrier.arrive $0xFFFF  }
0x56: {  	[tilespmem:s8], [sflag:$0x1] =	stream.linear.gather [spmem:s4], $0x280, $0x38;
	[tilespmem:$0x2D00] =	vst v63  }
0x57: {  	s14 =	sadd.s32 $0x1, s14;
	_ =	swait.ge [sflag:s9], $0x280  }
0x58: {  	p0 =	sne.s32 s14, s7;
	[sflag:s9] =	ssyncset.done $0x0  }
.Ltmp1:
0x59: {  	[sflag:s9] =	ssyncadd.s32 $0xFFFFFD80;
	(pc) =	sbr.rel @p0 .LBB2_1-.Ltmp1, $4  }
0x5a: {  	[hbm4b:s6+s3] =	stream.linear.scatter [tilespmem:s8], [sflag:$0x1], $0x280, $0x38;
	[tilespmem:$0x2D00] =	vst v63  }
0x5b: {  	_ =	swait.ge [sflag:s9], $0x280  }
0x5c: {  	[sflag:s9] =	ssyncset.done $0x0  }
0x5d: {  	[sflag:s9] =	ssyncadd.s32 $0xFFFFFD80  }
0x5e: {  	_ =	sfence.sel $0x180000  }
0x5f: {  	[bflag:$0x0] =	sbarrier.arrive $0xFFFF  }
0x60: {  	p0 =	sne.s32 s0, $0x0;
	_ =	strace $0x90000047  }
0x61: {  	s0 =	sadd.s32 @!p0 $0x100000, s1;
	[bflag:$0x2] =	sbarrier.arrive $0xFFFF  }
0x62: {  	[sflag:s0] =	ssyncadd.tile.s32 @!p0 $0x1;
	_ =	shalt  }
.Lfunc_end2:
_tile_overlayer_lowered:
.L_overlay_start_2:
0x63: {  	(tag) =	ssettag $0x2  }
0x64: {  	s0 =	rddreg [dreg:$0x0];
	s2 =	stileid.u32  }
0x65: {  	s1 =	rddreg [dreg:$0x1];
	p0 =	sne.s32 s2, $0x0  }
0x66: {  	s3 =	rddreg [dreg:$0x2];
	[bflag:$0x3] =	sbarrier.arrive $0xFFFF;
	s2 =	simm.s32 @!p0 $0x1C01  }
0x67: {  	[timem:s3], [sflag:s2] =	dma.local @!p0 [hbm:s0], s1  }
0x68: {  	s0 =	simm.s32 @!p0 $0x1  }
0x69: {  	_ =	swait.ge @!p0 [sflag:s0], s1  }
0x6a: {  	s1 =	ssub.s32 @!p0 $0x0, s1;
	[sflag:s0] =	ssyncset.done @!p0 $0x0  }
0x6b: {  	[sflag:s0] =	ssyncadd.s32 @!p0 s1  }
0x6c: {  	[bflag:$0x3] =	sbarrier.arrive $0xFFFF  }
0x6d: {  	_ =	shalt  }

</sc_bundles>
